<compile_context>
chip_gen: v7x
topology: tpu7x:2x2x1
jax: 0.10.2.dev20260603
libtpu: 0.0.44.dev20260713+nightly
codegen_flags: <defaults>
</compile_context>

<pallas_src>
import functools

import jax
import jax.numpy as jnp
from jax import lax
from jax.experimental import pallas as pl
from jax.experimental.pallas import tpu as pltpu
from jax.experimental.pallas import tpu_sc as plsc

MAT = 8192
N = MAT * MAT
NU = 1048576
PAD = NU * 16
TOT = N + PAD

NC = 2
NS = 16
HALF = N // NC
ZSLAB = N // (NC * NS)
ZBUF = 32768
NZDMA = ZSLAB // ZBUF
CHUNK = NU // NS
SB = 8192
NSB = CHUNK // SB
ROWS = SB // 128


def _sc_body(tgt_hbm, ws_hbm, out_hbm, zbuf, idxb, valb, zsem, csem):
    c = lax.axis_index("c")
    s = lax.axis_index("s")
    lane16 = lax.iota(jnp.int32, 16) * 16

    def _zfill(i, _):
        zbuf[pl.ds(i * 16, 16)] = jnp.zeros((16,), jnp.float32)
        return 0

    lax.fori_loop(0, ZBUF // 16, _zfill, 0)

    zb = c * HALF + s * ZSLAB
    for g in range(NZDMA // 4):
        descs = [
            pltpu.async_copy(
                zbuf, out_hbm.at[pl.ds(zb + (g * 4 + k) * ZBUF, ZBUF)], zsem
            )
            for k in range(4)
        ]
        for d in descs:
            d.wait()

    plsc.subcore_barrier()

    lo = c * HALF
    hi = lo + HALF

    for sb in range(NSB):
        ebase = s * CHUNK + sb * SB
        pltpu.sync_copy(tgt_hbm.at[pl.ds(ebase, SB)], idxb)
        pltpu.sync_copy(ws_hbm.at[pl.ds(ebase, SB)], valb)

        def _mask(t, _):
            cur = idxb[pl.ds(t * 16, 16)]
            owned = jnp.logical_and(cur >= lo, cur < hi)
            dumpv = (N + (ebase + t * 16) * 16) + lane16
            idxb[pl.ds(t * 16, 16)] = jnp.where(owned, cur, dumpv)
            return 0

        lax.fori_loop(0, SB // 16, _mask, 0)

        pltpu.async_copy(valb, out_hbm.at[idxb], csem).wait()


@jax.jit
def _sc_scatter(tgt2d, ws2d):
    mesh = plsc.VectorSubcoreMesh(core_axis_name="c", subcore_axis_name="s")
    return pl.kernel(
        _sc_body,
        out_type=jax.ShapeDtypeStruct((TOT,), jnp.float32),
        mesh=mesh,
        scratch_types=[
            pltpu.VMEM((ZBUF,), jnp.float32),
            pltpu.VMEM((SB,), jnp.int32),
            pltpu.VMEM((SB,), jnp.float32),
            pltpu.SemaphoreType.DMA,
            pltpu.SemaphoreType.DMA,
        ],
    )(tgt2d, ws2d)


def kernel(x, w, rows, cols):
    flat = rows * MAT + cols
    fs, ws = lax.sort_key_val(flat, w, is_stable=False)
    is_last = jnp.concatenate([fs[:-1] != fs[1:], jnp.full((1,), True)])
    tgt = jnp.where(is_last, fs, -8)
    out1d = _sc_scatter(tgt, ws)
    return out1d[:N].reshape(MAT, MAT)

# --- scband reference (transcript-rebuilt; emitter-appended) ---
"""Pipeline reference for scband-parametrized-constant-matrix-module-76304388980994 (READ-ONLY COPY).

The authoritative reference and input builder live on the scoring server;
editing this copy changes nothing except your own understanding.
"""

import jax, jax.numpy as jnp
import numpy as np

MATRIX_SHAPE = (8192, 8192)
NUM_UNIQUE = 1048576


def setup_inputs(seed: int = 0) -> dict:
    key = jax.random.key(seed)
    k1, k2, k3, k4 = jax.random.split(key, 4)
    # dummy forward input (ignored by the module's __call__, kept for signature fidelity)
    x = jax.random.normal(k1, (1,), dtype=jnp.float32)
    # learned parameter vector: one scalar per parametrized matrix entry
    w = jax.random.normal(k2, (NUM_UNIQUE,), dtype=jnp.float32)
    # parametrized_indeces materialized as (row, col) index arrays
    rows = jax.random.randint(k3, (NUM_UNIQUE,), 0, MATRIX_SHAPE[0], dtype=jnp.int32)
    cols = jax.random.randint(k4, (NUM_UNIQUE,), 0, MATRIX_SHAPE[1], dtype=jnp.int32)
    return {"x": x, "w": w, "rows": rows, "cols": cols}


def reference(x, w, rows, cols):
    # get_matrix_from_vector_and_parameter_indeces: build a constant (zero) matrix of
    # matrix_shape and scatter the parameter vector w into the parametrized indices.
    # x is accepted but unused, matching the original module's __call__.
    mat = jnp.zeros(MATRIX_SHAPE, dtype=w.dtype)
    mat = mat.at[rows, cols].set(w)
    return mat

if __name__ == "__main__":
    import jax
    _d = setup_inputs()
    print(jax.jit(kernel)(*tuple(_d.values())))

</pallas_src>

<mosaic_0001>
#map = affine_map<(d0, d1) -> (0)>
module attributes {stable_mosaic.version = 14 : i64} {
  func.func @_sc_body(%arg0: i32, %arg1: i32, %arg2: memref<1048576xi32, #tpu.memory_space<hbm>>, %arg3: memref<1048576xf32, #tpu.memory_space<hbm>>, %arg4: memref<83886080xf32, #tpu.memory_space<hbm>>, %arg5: memref<32768xf32, #tpu.memory_space<vmem>>, %arg6: memref<8192xi32, #tpu.memory_space<vmem>>, %arg7: memref<8192xf32, #tpu.memory_space<vmem>>, %arg8: memref<!tpu.dma_semaphore, #tpu.memory_space<semaphore_mem>>, %arg9: memref<!tpu.dma_semaphore, #tpu.memory_space<semaphore_mem>>) attributes {dimension_semantics = [#tpu.dimension_semantics<core_parallel>, #tpu.dimension_semantics<subcore_parallel>], iteration_bounds = array<i64: 2, 16>, scalar_prefetch = 0 : i64, scratch_operands = 5 : i64, tpu.core_type = #tpu.core_type<sc_vector_subcore>, window_params = [{transform_indices = #map}, {transform_indices = #map}, {transform_indices = #map}]} {
    %iota3A = tpu.iota {dimensions = array<i32: 0>} : vector<16xi32>
    %mul3A = arith.constant 16 : i32
    %mul3A_0 = vector.broadcast %mul3A : i32 to vector<16xi32>
    %mul3A_1 = arith.muli %iota3A, %mul3A_0 : vector<16xi32>
    %scan3A = arith.constant 0 : i32
    %scan3A_2 = arith.constant 0 : i32
    %scan3A_3 = arith.constant 2048 : i32
    %scan3A_4 = arith.addi %scan3A_2, %scan3A_3 : i32
    %scan3A_5 = arith.constant 1 : i32
    %scan3A_6 = scf.for %scan3A_518 = %scan3A_2 to %scan3A_4 step %scan3A_5 iter_args(%scan3A_519 = %scan3A) -> (i32)  : i32 {
      %broadcast_in_dim3A = arith.constant 0.000000e+00 : f32
      %broadcast_in_dim3A_520 = vector.broadcast %broadcast_in_dim3A : f32 to vector<16xf32>
      %mul3A_521 = arith.constant 16 : i32
      %mul3A_522 = arith.muli %scan3A_518, %mul3A_521 : i32
      %swap3A = arith.index_cast %mul3A_522 : i32 to index
      %swap3A_523 = tpu.vector_load %arg5[%swap3A] {strides = array<i32>} : memref<32768xf32, #tpu.memory_space<vmem>>, vector<16xf32>,
      %swap3A_524 = vector.shape_cast %swap3A_523 : vector<16xf32> to vector<16xf32>
      %swap3A_525 = vector.shape_cast %broadcast_in_dim3A_520 : vector<16xf32> to vector<16xf32>
      tpu.vector_store %arg5[%swap3A], %swap3A_525 {strides = array<i32>} : memref<32768xf32, #tpu.memory_space<vmem>>, vector<16xf32>,
      %scan3A_526 = arith.constant 0 : i32
      scf.yield %scan3A_526 : i32
    }
    %scan3A_7 = arith.constant 2048 : i32
    %mul3A_8 = arith.constant 33554432 : i32
    %mul3A_9 = arith.muli %arg0, %mul3A_8 : i32
    %mul3A_10 = arith.constant 2097152 : i32
    %mul3A_11 = arith.muli %arg1, %mul3A_10 : i32
    %add3A = arith.addi %mul3A_9, %mul3A_11 : i32
    %add3A_12 = arith.constant 0 : i32
    %add3A_13 = arith.addi %add3A, %add3A_12 : i32
    %dma_start3A = tpu.memref_slice %arg4[%add3A_13] : memref<83886080xf32, #tpu.memory_space<hbm>> -> memref<32768xf32, #tpu.memory_space<hbm>>
    %dma_start3A_14 = tpu.memref_slice %arg4[%add3A_13] : memref<83886080xf32, #tpu.memory_space<hbm>> -> memref<32768xf32, #tpu.memory_space<hbm>>
    tpu.enqueue_dma source(%arg5 : memref<32768xf32, #tpu.memory_space<vmem>>) target(%dma_start3A_14 : memref<32768xf32, #tpu.memory_space<hbm>>) target_semaphore(%arg8 : memref<!tpu.dma_semaphore, #tpu.memory_space<semaphore_mem>>)
    %add3A_15 = arith.constant 32768 : i32
    %add3A_16 = arith.addi %add3A, %add3A_15 : i32
    %dma_start3A_17 = tpu.memref_slice %arg4[%add3A_16] : memref<83886080xf32, #tpu.memory_space<hbm>> -> memref<32768xf32, #tpu.memory_space<hbm>>
    %dma_start3A_18 = tpu.memref_slice %arg4[%add3A_16] : memref<83886080xf32, #tpu.memory_space<hbm>> -> memref<32768xf32, #tpu.memory_space<hbm>>
    tpu.enqueue_dma source(%arg5 : memref<32768xf32, #tpu.memory_space<vmem>>) target(%dma_start3A_18 : memref<32768xf32, #tpu.memory_space<hbm>>) target_semaphore(%arg8 : memref<!tpu.dma_semaphore, #tpu.memory_space<semaphore_mem>>)
    %add3A_19 = arith.constant 65536 : i32
    %add3A_20 = arith.addi %add3A, %add3A_19 : i32
    %dma_start3A_21 = tpu.memref_slice %arg4[%add3A_20] : memref<83886080xf32, #tpu.memory_space<hbm>> -> memref<32768xf32, #tpu.memory_space<hbm>>
    %dma_start3A_22 = tpu.memref_slice %arg4[%add3A_20] : memref<83886080xf32, #tpu.memory_space<hbm>> -> memref<32768xf32, #tpu.memory_space<hbm>>
    tpu.enqueue_dma source(%arg5 : memref<32768xf32, #tpu.memory_space<vmem>>) target(%dma_start3A_22 : memref<32768xf32, #tpu.memory_space<hbm>>) target_semaphore(%arg8 : memref<!tpu.dma_semaphore, #tpu.memory_space<semaphore_mem>>)
    %add3A_23 = arith.constant 98304 : i32
    %add3A_24 = arith.addi %add3A, %add3A_23 : i32
    %dma_start3A_25 = tpu.memref_slice %arg4[%add3A_24] : memref<83886080xf32, #tpu.memory_space<hbm>> -> memref<32768xf32, #tpu.memory_space<hbm>>
    %dma_start3A_26 = tpu.memref_slice %arg4[%add3A_24] : memref<83886080xf32, #tpu.memory_space<hbm>> -> memref<32768xf32, #tpu.memory_space<hbm>>
    tpu.enqueue_dma source(%arg5 : memref<32768xf32, #tpu.memory_space<vmem>>) target(%dma_start3A_26 : memref<32768xf32, #tpu.memory_space<hbm>>) target_semaphore(%arg8 : memref<!tpu.dma_semaphore, #tpu.memory_space<semaphore_mem>>)
    %dma_wait3A = tpu.memref_slice %arg4[%add3A_13] : memref<83886080xf32, #tpu.memory_space<hbm>> -> memref<32768xf32, #tpu.memory_space<hbm>>
    %dma_wait3A_27 = tpu.memref_slice %arg4[%add3A_13] : memref<83886080xf32, #tpu.memory_space<hbm>> -> memref<32768xf32, #tpu.memory_space<hbm>>
    tpu.wait_dma2 semaphore(%arg8 : memref<!tpu.dma_semaphore, #tpu.memory_space<semaphore_mem>>) src(%arg5 : memref<32768xf32, #tpu.memory_space<vmem>>) dst(%dma_wait3A_27 : memref<32768xf32, #tpu.memory_space<hbm>>)
    %dma_wait3A_28 = tpu.memref_slice %arg4[%add3A_16] : memref<83886080xf32, #tpu.memory_space<hbm>> -> memref<32768xf32, #tpu.memory_space<hbm>>
    %dma_wait3A_29 = tpu.memref_slice %arg4[%add3A_16] : memref<83886080xf32, #tpu.memory_space<hbm>> -> memref<32768xf32, #tpu.memory_space<hbm>>
    tpu.wait_dma2 semaphore(%arg8 : memref<!tpu.dma_semaphore, #tpu.memory_space<semaphore_mem>>) src(%arg5 : memref<32768xf32, #tpu.memory_space<vmem>>) dst(%dma_wait3A_29 : memref<32768xf32, #tpu.memory_space<hbm>>)
    %dma_wait3A_30 = tpu.memref_slice %arg4[%add3A_20] : memref<83886080xf32, #tpu.memory_space<hbm>> -> memref<32768xf32, #tpu.memory_space<hbm>>
    %dma_wait3A_31 = tpu.memref_slice %arg4[%add3A_20] : memref<83886080xf32, #tpu.memory_space<hbm>> -> memref<32768xf32, #tpu.memory_space<hbm>>
    tpu.wait_dma2 semaphore(%arg8 : memref<!tpu.dma_semaphore, #tpu.memory_space<semaphore_mem>>) src(%arg5 : memref<32768xf32, #tpu.memory_space<vmem>>) dst(%dma_wait3A_31 : memref<32768xf32, #tpu.memory_space<hbm>>)
    %dma_wait3A_32 = tpu.memref_slice %arg4[%add3A_24] : memref<83886080xf32, #tpu.memory_space<hbm>> -> memref<32768xf32, #tpu.memory_space<hbm>>
    %dma_wait3A_33 = tpu.memref_slice %arg4[%add3A_24] : memref<83886080xf32, #tpu.memory_space<hbm>> -> memref<32768xf32, #tpu.memory_space<hbm>>
    tpu.wait_dma2 semaphore(%arg8 : memref<!tpu.dma_semaphore, #tpu.memory_space<semaphore_mem>>) src(%arg5 : memref<32768xf32, #tpu.memory_space<vmem>>) dst(%dma_wait3A_33 : memref<32768xf32, #tpu.memory_space<hbm>>)
    %add3A_34 = arith.constant 131072 : i32
    %add3A_35 = arith.addi %add3A, %add3A_34 : i32
    %dma_start3A_36 = tpu.memref_slice %arg4[%add3A_35] : memref<83886080xf32, #tpu.memory_space<hbm>> -> memref<32768xf32, #tpu.memory_space<hbm>>
    %dma_start3A_37 = tpu.memref_slice %arg4[%add3A_35] : memref<83886080xf32, #tpu.memory_space<hbm>> -> memref<32768xf32, #tpu.memory_space<hbm>>
    tpu.enqueue_dma source(%arg5 : memref<32768xf32, #tpu.memory_space<vmem>>) target(%dma_start3A_37 : memref<32768xf32, #tpu.memory_space<hbm>>) target_semaphore(%arg8 : memref<!tpu.dma_semaphore, #tpu.memory_space<semaphore_mem>>)
    %add3A_38 = arith.constant 163840 : i32
    %add3A_39 = arith.addi %add3A, %add3A_38 : i32
    %dma_start3A_40 = tpu.memref_slice %arg4[%add3A_39] : memref<83886080xf32, #tpu.memory_space<hbm>> -> memref<32768xf32, #tpu.memory_space<hbm>>
    %dma_start3A_41 = tpu.memref_slice %arg4[%add3A_39] : memref<83886080xf32, #tpu.memory_space<hbm>> -> memref<32768xf32, #tpu.memory_space<hbm>>
    tpu.enqueue_dma source(%arg5 : memref<32768xf32, #tpu.memory_space<vmem>>) target(%dma_start3A_41 : memref<32768xf32, #tpu.memory_space<hbm>>) target_semaphore(%arg8 : memref<!tpu.dma_semaphore, #tpu.memory_space<semaphore_mem>>)
    %add3A_42 = arith.constant 196608 : i32
    %add3A_43 = arith.addi %add3A, %add3A_42 : i32
    %dma_start3A_44 = tpu.memref_slice %arg4[%add3A_43] : memref<83886080xf32, #tpu.memory_space<hbm>> -> memref<32768xf32, #tpu.memory_space<hbm>>
    %dma_start3A_45 = tpu.memref_slice %arg4[%add3A_43] : memref<83886080xf32, #tpu.memory_space<hbm>> -> memref<32768xf32, #tpu.memory_space<hbm>>
    tpu.enqueue_dma source(%arg5 : memref<32768xf32, #tpu.memory_space<vmem>>) target(%dma_start3A_45 : memref<32768xf32, #tpu.memory_space<hbm>>) target_semaphore(%arg8 : memref<!tpu.dma_semaphore, #tpu.memory_space<semaphore_mem>>)
    %add3A_46 = arith.constant 229376 : i32
    %add3A_47 = arith.addi %add3A, %add3A_46 : i32
    %dma_start3A_48 = tpu.memref_slice %arg4[%add3A_47] : memref<83886080xf32, #tpu.memory_space<hbm>> -> memref<32768xf32, #tpu.memory_space<hbm>>
    %dma_start3A_49 = tpu.memref_slice %arg4[%add3A_47] : memref<83886080xf32, #tpu.memory_space<hbm>> -> memref<32768xf32, #tpu.memory_space<hbm>>
    tpu.enqueue_dma source(%arg5 : memref<32768xf32, #tpu.memory_space<vmem>>) target(%dma_start3A_49 : memref<32768xf32, #tpu.memory_space<hbm>>) target_semaphore(%arg8 : memref<!tpu.dma_semaphore, #tpu.memory_space<semaphore_mem>>)
    %dma_wait3A_50 = tpu.memref_slice %arg4[%add3A_35] : memref<83886080xf32, #tpu.memory_space<hbm>> -> memref<32768xf32, #tpu.memory_space<hbm>>
    %dma_wait3A_51 = tpu.memref_slice %arg4[%add3A_35] : memref<83886080xf32, #tpu.memory_space<hbm>> -> memref<32768xf32, #tpu.memory_space<hbm>>
    tpu.wait_dma2 semaphore(%arg8 : memref<!tpu.dma_semaphore, #tpu.memory_space<semaphore_mem>>) src(%arg5 : memref<32768xf32, #tpu.memory_space<vmem>>) dst(%dma_wait3A_51 : memref<32768xf32, #tpu.memory_space<hbm>>)
    %dma_wait3A_52 = tpu.memref_slice %arg4[%add3A_39] : memref<83886080xf32, #tpu.memory_space<hbm>> -> memref<32768xf32, #tpu.memory_space<hbm>>
    %dma_wait3A_53 = tpu.memref_slice %arg4[%add3A_39] : memref<83886080xf32, #tpu.memory_space<hbm>> -> memref<32768xf32, #tpu.memory_space<hbm>>
    tpu.wait_dma2 semaphore(%arg8 : memref<!tpu.dma_semaphore, #tpu.memory_space<semaphore_mem>>) src(%arg5 : memref<32768xf32, #tpu.memory_space<vmem>>) dst(%dma_wait3A_53 : memref<32768xf32, #tpu.memory_space<hbm>>)
    %dma_wait3A_54 = tpu.memref_slice %arg4[%add3A_43] : memref<83886080xf32, #tpu.memory_space<hbm>> -> memref<32768xf32, #tpu.memory_space<hbm>>
    %dma_wait3A_55 = tpu.memref_slice %arg4[%add3A_43] : memref<83886080xf32, #tpu.memory_space<hbm>> -> memref<32768xf32, #tpu.memory_space<hbm>>
    tpu.wait_dma2 semaphore(%arg8 : memref<!tpu.dma_semaphore, #tpu.memory_space<semaphore_mem>>) src(%arg5 : memref<32768xf32, #tpu.memory_space<vmem>>) dst(%dma_wait3A_55 : memref<32768xf32, #tpu.memory_space<hbm>>)
    %dma_wait3A_56 = tpu.memref_slice %arg4[%add3A_47] : memref<83886080xf32, #tpu.memory_space<hbm>> -> memref<32768xf32, #tpu.memory_space<hbm>>
    %dma_wait3A_57 = tpu.memref_slice %arg4[%add3A_47] : memref<83886080xf32, #tpu.memory_space<hbm>> -> memref<32768xf32, #tpu.memory_space<hbm>>
    tpu.wait_dma2 semaphore(%arg8 : memref<!tpu.dma_semaphore, #tpu.memory_space<semaphore_mem>>) src(%arg5 : memref<32768xf32, #tpu.memory_space<vmem>>) dst(%dma_wait3A_57 : memref<32768xf32, #tpu.memory_space<hbm>>)
    %add3A_58 = arith.constant 262144 : i32
    %add3A_59 = arith.addi %add3A, %add3A_58 : i32
    %dma_start3A_60 = tpu.memref_slice %arg4[%add3A_59] : memref<83886080xf32, #tpu.memory_space<hbm>> -> memref<32768xf32, #tpu.memory_space<hbm>>
    %dma_start3A_61 = tpu.memref_slice %arg4[%add3A_59] : memref<83886080xf32, #tpu.memory_space<hbm>> -> memref<32768xf32, #tpu.memory_space<hbm>>
    tpu.enqueue_dma source(%arg5 : memref<32768xf32, #tpu.memory_space<vmem>>) target(%dma_start3A_61 : memref<32768xf32, #tpu.memory_space<hbm>>) target_semaphore(%arg8 : memref<!tpu.dma_semaphore, #tpu.memory_space<semaphore_mem>>)
    %add3A_62 = arith.constant 294912 : i32
    %add3A_63 = arith.addi %add3A, %add3A_62 : i32
    %dma_start3A_64 = tpu.memref_slice %arg4[%add3A_63] : memref<83886080xf32, #tpu.memory_space<hbm>> -> memref<32768xf32, #tpu.memory_space<hbm>>
    %dma_start3A_65 = tpu.memref_slice %arg4[%add3A_63] : memref<83886080xf32, #tpu.memory_space<hbm>> -> memref<32768xf32, #tpu.memory_space<hbm>>
    tpu.enqueue_dma source(%arg5 : memref<32768xf32, #tpu.memory_space<vmem>>) target(%dma_start3A_65 : memref<32768xf32, #tpu.memory_space<hbm>>) target_semaphore(%arg8 : memref<!tpu.dma_semaphore, #tpu.memory_space<semaphore_mem>>)
    %add3A_66 = arith.constant 327680 : i32
    %add3A_67 = arith.addi %add3A, %add3A_66 : i32
    %dma_start3A_68 = tpu.memref_slice %arg4[%add3A_67] : memref<83886080xf32, #tpu.memory_space<hbm>> -> memref<32768xf32, #tpu.memory_space<hbm>>
    %dma_start3A_69 = tpu.memref_slice %arg4[%add3A_67] : memref<83886080xf32, #tpu.memory_space<hbm>> -> memref<32768xf32, #tpu.memory_space<hbm>>
    tpu.enqueue_dma source(%arg5 : memref<32768xf32, #tpu.memory_space<vmem>>) target(%dma_start3A_69 : memref<32768xf32, #tpu.memory_space<hbm>>) target_semaphore(%arg8 : memref<!tpu.dma_semaphore, #tpu.memory_space<semaphore_mem>>)
    %add3A_70 = arith.constant 360448 : i32
    %add3A_71 = arith.addi %add3A, %add3A_70 : i32
    %dma_start3A_72 = tpu.memref_slice %arg4[%add3A_71] : memref<83886080xf32, #tpu.memory_space<hbm>> -> memref<32768xf32, #tpu.memory_space<hbm>>
    %dma_start3A_73 = tpu.memref_slice %arg4[%add3A_71] : memref<83886080xf32, #tpu.memory_space<hbm>> -> memref<32768xf32, #tpu.memory_space<hbm>>
    tpu.enqueue_dma source(%arg5 : memref<32768xf32, #tpu.memory_space<vmem>>) target(%dma_start3A_73 : memref<32768xf32, #tpu.memory_space<hbm>>) target_semaphore(%arg8 : memref<!tpu.dma_semaphore, #tpu.memory_space<semaphore_mem>>)
    %dma_wait3A_74 = tpu.memref_slice %arg4[%add3A_59] : memref<83886080xf32, #tpu.memory_space<hbm>> -> memref<32768xf32, #tpu.memory_space<hbm>>
    %dma_wait3A_75 = tpu.memref_slice %arg4[%add3A_59] : memref<83886080xf32, #tpu.memory_space<hbm>> -> memref<32768xf32, #tpu.memory_space<hbm>>
    tpu.wait_dma2 semaphore(%arg8 : memref<!tpu.dma_semaphore, #tpu.memory_space<semaphore_mem>>) src(%arg5 : memref<32768xf32, #tpu.memory_space<vmem>>) dst(%dma_wait3A_75 : memref<32768xf32, #tpu.memory_space<hbm>>)
    %dma_wait3A_76 = tpu.memref_slice %arg4[%add3A_63] : memref<83886080xf32, #tpu.memory_space<hbm>> -> memref<32768xf32, #tpu.memory_space<hbm>>
    %dma_wait3A_77 = tpu.memref_slice %arg4[%add3A_63] : memref<83886080xf32, #tpu.memory_space<hbm>> -> memref<32768xf32, #tpu.memory_space<hbm>>
    tpu.wait_dma2 semaphore(%arg8 : memref<!tpu.dma_semaphore, #tpu.memory_space<semaphore_mem>>) src(%arg5 : memref<32768xf32, #tpu.memory_space<vmem>>) dst(%dma_wait3A_77 : memref<32768xf32, #tpu.memory_space<hbm>>)
    %dma_wait3A_78 = tpu.memref_slice %arg4[%add3A_67] : memref<83886080xf32, #tpu.memory_space<hbm>> -> memref<32768xf32, #tpu.memory_space<hbm>>
    %dma_wait3A_79 = tpu.memref_slice %arg4[%add3A_67] : memref<83886080xf32, #tpu.memory_space<hbm>> -> memref<32768xf32, #tpu.memory_space<hbm>>
    tpu.wait_dma2 semaphore(%arg8 : memref<!tpu.dma_semaphore, #tpu.memory_space<semaphore_mem>>) src(%arg5 : memref<32768xf32, #tpu.memory_space<vmem>>) dst(%dma_wait3A_79 : memref<32768xf32, #tpu.memory_space<hbm>>)
    %dma_wait3A_80 = tpu.memref_slice %arg4[%add3A_71] : memref<83886080xf32, #tpu.memory_space<hbm>> -> memref<32768xf32, #tpu.memory_space<hbm>>
    %dma_wait3A_81 = tpu.memref_slice %arg4[%add3A_71] : memref<83886080xf32, #tpu.memory_space<hbm>> -> memref<32768xf32, #tpu.memory_space<hbm>>
    tpu.wait_dma2 semaphore(%arg8 : memref<!tpu.dma_semaphore, #tpu.memory_space<semaphore_mem>>) src(%arg5 : memref<32768xf32, #tpu.memory_space<vmem>>) dst(%dma_wait3A_81 : memref<32768xf32, #tpu.memory_space<hbm>>)
    %add3A_82 = arith.constant 393216 : i32
    %add3A_83 = arith.addi %add3A, %add3A_82 : i32
    %dma_start3A_84 = tpu.memref_slice %arg4[%add3A_83] : memref<83886080xf32, #tpu.memory_space<hbm>> -> memref<32768xf32, #tpu.memory_space<hbm>>
    %dma_start3A_85 = tpu.memref_slice %arg4[%add3A_83] : memref<83886080xf32, #tpu.memory_space<hbm>> -> memref<32768xf32, #tpu.memory_space<hbm>>
    tpu.enqueue_dma source(%arg5 : memref<32768xf32, #tpu.memory_space<vmem>>) target(%dma_start3A_85 : memref<32768xf32, #tpu.memory_space<hbm>>) target_semaphore(%arg8 : memref<!tpu.dma_semaphore, #tpu.memory_space<semaphore_mem>>)
    %add3A_86 = arith.constant 425984 : i32
    %add3A_87 = arith.addi %add3A, %add3A_86 : i32
    %dma_start3A_88 = tpu.memref_slice %arg4[%add3A_87] : memref<83886080xf32, #tpu.memory_space<hbm>> -> memref<32768xf32, #tpu.memory_space<hbm>>
    %dma_start3A_89 = tpu.memref_slice %arg4[%add3A_87] : memref<83886080xf32, #tpu.memory_space<hbm>> -> memref<32768xf32, #tpu.memory_space<hbm>>
    tpu.enqueue_dma source(%arg5 : memref<32768xf32, #tpu.memory_space<vmem>>) target(%dma_start3A_89 : memref<32768xf32, #tpu.memory_space<hbm>>) target_semaphore(%arg8 : memref<!tpu.dma_semaphore, #tpu.memory_space<semaphore_mem>>)
    %add3A_90 = arith.constant 458752 : i32
    %add3A_91 = arith.addi %add3A, %add3A_90 : i32
    %dma_start3A_92 = tpu.memref_slice %arg4[%add3A_91] : memref<83886080xf32, #tpu.memory_space<hbm>> -> memref<32768xf32, #tpu.memory_space<hbm>>
    %dma_start3A_93 = tpu.memref_slice %arg4[%add3A_91] : memref<83886080xf32, #tpu.memory_space<hbm>> -> memref<32768xf32, #tpu.memory_space<hbm>>
    tpu.enqueue_dma source(%arg5 : memref<32768xf32, #tpu.memory_space<vmem>>) target(%dma_start3A_93 : memref<32768xf32, #tpu.memory_space<hbm>>) target_semaphore(%arg8 : memref<!tpu.dma_semaphore, #tpu.memory_space<semaphore_mem>>)
    %add3A_94 = arith.constant 491520 : i32
    %add3A_95 = arith.addi %add3A, %add3A_94 : i32
    %dma_start3A_96 = tpu.memref_slice %arg4[%add3A_95] : memref<83886080xf32, #tpu.memory_space<hbm>> -> memref<32768xf32, #tpu.memory_space<hbm>>
    %dma_start3A_97 = tpu.memref_slice %arg4[%add3A_95] : memref<83886080xf32, #tpu.memory_space<hbm>> -> memref<32768xf32, #tpu.memory_space<hbm>>
    tpu.enqueue_dma source(%arg5 : memref<32768xf32, #tpu.memory_space<vmem>>) target(%dma_start3A_97 : memref<32768xf32, #tpu.memory_space<hbm>>) target_semaphore(%arg8 : memref<!tpu.dma_semaphore, #tpu.memory_space<semaphore_mem>>)
    %dma_wait3A_98 = tpu.memref_slice %arg4[%add3A_83] : memref<83886080xf32, #tpu.memory_space<hbm>> -> memref<32768xf32, #tpu.memory_space<hbm>>
    %dma_wait3A_99 = tpu.memref_slice %arg4[%add3A_83] : memref<83886080xf32, #tpu.memory_space<hbm>> -> memref<32768xf32, #tpu.memory_space<hbm>>
    tpu.wait_dma2 semaphore(%arg8 : memref<!tpu.dma_semaphore, #tpu.memory_space<semaphore_mem>>) src(%arg5 : memref<32768xf32, #tpu.memory_space<vmem>>) dst(%dma_wait3A_99 : memref<32768xf32, #tpu.memory_space<hbm>>)
    %dma_wait3A_100 = tpu.memref_slice %arg4[%add3A_87] : memref<83886080xf32, #tpu.memory_space<hbm>> -> memref<32768xf32, #tpu.memory_space<hbm>>
    %dma_wait3A_101 = tpu.memref_slice %arg4[%add3A_87] : memref<83886080xf32, #tpu.memory_space<hbm>> -> memref<32768xf32, #tpu.memory_space<hbm>>
    tpu.wait_dma2 semaphore(%arg8 : memref<!tpu.dma_semaphore, #tpu.memory_space<semaphore_mem>>) src(%arg5 : memref<32768xf32, #tpu.memory_space<vmem>>) dst(%dma_wait3A_101 : memref<32768xf32, #tpu.memory_space<hbm>>)
    %dma_wait3A_102 = tpu.memref_slice %arg4[%add3A_91] : memref<83886080xf32, #tpu.memory_space<hbm>> -> memref<32768xf32, #tpu.memory_space<hbm>>
    %dma_wait3A_103 = tpu.memref_slice %arg4[%add3A_91] : memref<83886080xf32, #tpu.memory_space<hbm>> -> memref<32768xf32, #tpu.memory_space<hbm>>
    tpu.wait_dma2 semaphore(%arg8 : memref<!tpu.dma_semaphore, #tpu.memory_space<semaphore_mem>>) src(%arg5 : memref<32768xf32, #tpu.memory_space<vmem>>) dst(%dma_wait3A_103 : memref<32768xf32, #tpu.memory_space<hbm>>)
    %dma_wait3A_104 = tpu.memref_slice %arg4[%add3A_95] : memref<83886080xf32, #tpu.memory_space<hbm>> -> memref<32768xf32, #tpu.memory_space<hbm>>
    %dma_wait3A_105 = tpu.memref_slice %arg4[%add3A_95] : memref<83886080xf32, #tpu.memory_space<hbm>> -> memref<32768xf32, #tpu.memory_space<hbm>>
    tpu.wait_dma2 semaphore(%arg8 : memref<!tpu.dma_semaphore, #tpu.memory_space<semaphore_mem>>) src(%arg5 : memref<32768xf32, #tpu.memory_space<vmem>>) dst(%dma_wait3A_105 : memref<32768xf32, #tpu.memory_space<hbm>>)
    %add3A_106 = arith.constant 524288 : i32
    %add3A_107 = arith.addi %add3A, %add3A_106 : i32
    %dma_start3A_108 = tpu.memref_slice %arg4[%add3A_107] : memref<83886080xf32, #tpu.memory_space<hbm>> -> memref<32768xf32, #tpu.memory_space<hbm>>
    %dma_start3A_109 = tpu.memref_slice %arg4[%add3A_107] : memref<83886080xf32, #tpu.memory_space<hbm>> -> memref<32768xf32, #tpu.memory_space<hbm>>
    tpu.enqueue_dma source(%arg5 : memref<32768xf32, #tpu.memory_space<vmem>>) target(%dma_start3A_109 : memref<32768xf32, #tpu.memory_space<hbm>>) target_semaphore(%arg8 : memref<!tpu.dma_semaphore, #tpu.memory_space<semaphore_mem>>)
    %add3A_110 = arith.constant 557056 : i32
    %add3A_111 = arith.addi %add3A, %add3A_110 : i32
    %dma_start3A_112 = tpu.memref_slice %arg4[%add3A_111] : memref<83886080xf32, #tpu.memory_space<hbm>> -> memref<32768xf32, #tpu.memory_space<hbm>>
    %dma_start3A_113 = tpu.memref_slice %arg4[%add3A_111] : memref<83886080xf32, #tpu.memory_space<hbm>> -> memref<32768xf32, #tpu.memory_space<hbm>>
    tpu.enqueue_dma source(%arg5 : memref<32768xf32, #tpu.memory_space<vmem>>) target(%dma_start3A_113 : memref<32768xf32, #tpu.memory_space<hbm>>) target_semaphore(%arg8 : memref<!tpu.dma_semaphore, #tpu.memory_space<semaphore_mem>>)
    %add3A_114 = arith.constant 589824 : i32
    %add3A_115 = arith.addi %add3A, %add3A_114 : i32
    %dma_start3A_116 = tpu.memref_slice %arg4[%add3A_115] : memref<83886080xf32, #tpu.memory_space<hbm>> -> memref<32768xf32, #tpu.memory_space<hbm>>
    %dma_start3A_117 = tpu.memref_slice %arg4[%add3A_115] : memref<83886080xf32, #tpu.memory_space<hbm>> -> memref<32768xf32, #tpu.memory_space<hbm>>
    tpu.enqueue_dma source(%arg5 : memref<32768xf32, #tpu.memory_space<vmem>>) target(%dma_start3A_117 : memref<32768xf32, #tpu.memory_space<hbm>>) target_semaphore(%arg8 : memref<!tpu.dma_semaphore, #tpu.memory_space<semaphore_mem>>)
    %add3A_118 = arith.constant 622592 : i32
    %add3A_119 = arith.addi %add3A, %add3A_118 : i32
    %dma_start3A_120 = tpu.memref_slice %arg4[%add3A_119] : memref<83886080xf32, #tpu.memory_space<hbm>> -> memref<32768xf32, #tpu.memory_space<hbm>>
    %dma_start3A_121 = tpu.memref_slice %arg4[%add3A_119] : memref<83886080xf32, #tpu.memory_space<hbm>> -> memref<32768xf32, #tpu.memory_space<hbm>>
    tpu.enqueue_dma source(%arg5 : memref<32768xf32, #tpu.memory_space<vmem>>) target(%dma_start3A_121 : memref<32768xf32, #tpu.memory_space<hbm>>) target_semaphore(%arg8 : memref<!tpu.dma_semaphore, #tpu.memory_space<semaphore_mem>>)
    %dma_wait3A_122 = tpu.memref_slice %arg4[%add3A_107] : memref<83886080xf32, #tpu.memory_space<hbm>> -> memref<32768xf32, #tpu.memory_space<hbm>>
    %dma_wait3A_123 = tpu.memref_slice %arg4[%add3A_107] : memref<83886080xf32, #tpu.memory_space<hbm>> -> memref<32768xf32, #tpu.memory_space<hbm>>
    tpu.wait_dma2 semaphore(%arg8 : memref<!tpu.dma_semaphore, #tpu.memory_space<semaphore_mem>>) src(%arg5 : memref<32768xf32, #tpu.memory_space<vmem>>) dst(%dma_wait3A_123 : memref<32768xf32, #tpu.memory_space<hbm>>)
    %dma_wait3A_124 = tpu.memref_slice %arg4[%add3A_111] : memref<83886080xf32, #tpu.memory_space<hbm>> -> memref<32768xf32, #tpu.memory_space<hbm>>
    %dma_wait3A_125 = tpu.memref_slice %arg4[%add3A_111] : memref<83886080xf32, #tpu.memory_space<hbm>> -> memref<32768xf32, #tpu.memory_space<hbm>>
    tpu.wait_dma2 semaphore(%arg8 : memref<!tpu.dma_semaphore, #tpu.memory_space<semaphore_mem>>) src(%arg5 : memref<32768xf32, #tpu.memory_space<vmem>>) dst(%dma_wait3A_125 : memref<32768xf32, #tpu.memory_space<hbm>>)
    %dma_wait3A_126 = tpu.memref_slice %arg4[%add3A_115] : memref<83886080xf32, #tpu.memory_space<hbm>> -> memref<32768xf32, #tpu.memory_space<hbm>>
    %dma_wait3A_127 = tpu.memref_slice %arg4[%add3A_115] : memref<83886080xf32, #tpu.memory_space<hbm>> -> memref<32768xf32, #tpu.memory_space<hbm>>
    tpu.wait_dma2 semaphore(%arg8 : memref<!tpu.dma_semaphore, #tpu.memory_space<semaphore_mem>>) src(%arg5 : memref<32768xf32, #tpu.memory_space<vmem>>) dst(%dma_wait3A_127 : memref<32768xf32, #tpu.memory_space<hbm>>)
    %dma_wait3A_128 = tpu.memref_slice %arg4[%add3A_119] : memref<83886080xf32, #tpu.memory_space<hbm>> -> memref<32768xf32, #tpu.memory_space<hbm>>
    %dma_wait3A_129 = tpu.memref_slice %arg4[%add3A_119] : memref<83886080xf32, #tpu.memory_space<hbm>> -> memref<32768xf32, #tpu.memory_space<hbm>>
    tpu.wait_dma2 semaphore(%arg8 : memref<!tpu.dma_semaphore, #tpu.memory_space<semaphore_mem>>) src(%arg5 : memref<32768xf32, #tpu.memory_space<vmem>>) dst(%dma_wait3A_129 : memref<32768xf32, #tpu.memory_space<hbm>>)
    %add3A_130 = arith.constant 655360 : i32
    %add3A_131 = arith.addi %add3A, %add3A_130 : i32
    %dma_start3A_132 = tpu.memref_slice %arg4[%add3A_131] : memref<83886080xf32, #tpu.memory_space<hbm>> -> memref<32768xf32, #tpu.memory_space<hbm>>
    %dma_start3A_133 = tpu.memref_slice %arg4[%add3A_131] : memref<83886080xf32, #tpu.memory_space<hbm>> -> memref<32768xf32, #tpu.memory_space<hbm>>
    tpu.enqueue_dma source(%arg5 : memref<32768xf32, #tpu.memory_space<vmem>>) target(%dma_start3A_133 : memref<32768xf32, #tpu.memory_space<hbm>>) target_semaphore(%arg8 : memref<!tpu.dma_semaphore, #tpu.memory_space<semaphore_mem>>)
    %add3A_134 = arith.constant 688128 : i32
    %add3A_135 = arith.addi %add3A, %add3A_134 : i32
    %dma_start3A_136 = tpu.memref_slice %arg4[%add3A_135] : memref<83886080xf32, #tpu.memory_space<hbm>> -> memref<32768xf32, #tpu.memory_space<hbm>>
    %dma_start3A_137 = tpu.memref_slice %arg4[%add3A_135] : memref<83886080xf32, #tpu.memory_space<hbm>> -> memref<32768xf32, #tpu.memory_space<hbm>>
    tpu.enqueue_dma source(%arg5 : memref<32768xf32, #tpu.memory_space<vmem>>) target(%dma_start3A_137 : memref<32768xf32, #tpu.memory_space<hbm>>) target_semaphore(%arg8 : memref<!tpu.dma_semaphore, #tpu.memory_space<semaphore_mem>>)
    %add3A_138 = arith.constant 720896 : i32
    %add3A_139 = arith.addi %add3A, %add3A_138 : i32
    %dma_start3A_140 = tpu.memref_slice %arg4[%add3A_139] : memref<83886080xf32, #tpu.memory_space<hbm>> -> memref<32768xf32, #tpu.memory_space<hbm>>
    %dma_start3A_141 = tpu.memref_slice %arg4[%add3A_139] : memref<83886080xf32, #tpu.memory_space<hbm>> -> memref<32768xf32, #tpu.memory_space<hbm>>
    tpu.enqueue_dma source(%arg5 : memref<32768xf32, #tpu.memory_space<vmem>>) target(%dma_start3A_141 : memref<32768xf32, #tpu.memory_space<hbm>>) target_semaphore(%arg8 : memref<!tpu.dma_semaphore, #tpu.memory_space<semaphore_mem>>)
    %add3A_142 = arith.constant 753664 : i32
    %add3A_143 = arith.addi %add3A, %add3A_142 : i32
    %dma_start3A_144 = tpu.memref_slice %arg4[%add3A_143] : memref<83886080xf32, #tpu.memory_space<hbm>> -> memref<32768xf32, #tpu.memory_space<hbm>>
    %dma_start3A_145 = tpu.memref_slice %arg4[%add3A_143] : memref<83886080xf32, #tpu.memory_space<hbm>> -> memref<32768xf32, #tpu.memory_space<hbm>>
    tpu.enqueue_dma source(%arg5 : memref<32768xf32, #tpu.memory_space<vmem>>) target(%dma_start3A_145 : memref<32768xf32, #tpu.memory_space<hbm>>) target_semaphore(%arg8 : memref<!tpu.dma_semaphore, #tpu.memory_space<semaphore_mem>>)
    %dma_wait3A_146 = tpu.memref_slice %arg4[%add3A_131] : memref<83886080xf32, #tpu.memory_space<hbm>> -> memref<32768xf32, #tpu.memory_space<hbm>>
    %dma_wait3A_147 = tpu.memref_slice %arg4[%add3A_131] : memref<83886080xf32, #tpu.memory_space<hbm>> -> memref<32768xf32, #tpu.memory_space<hbm>>
    tpu.wait_dma2 semaphore(%arg8 : memref<!tpu.dma_semaphore, #tpu.memory_space<semaphore_mem>>) src(%arg5 : memref<32768xf32, #tpu.memory_space<vmem>>) dst(%dma_wait3A_147 : memref<32768xf32, #tpu.memory_space<hbm>>)
    %dma_wait3A_148 = tpu.memref_slice %arg4[%add3A_135] : memref<83886080xf32, #tpu.memory_space<hbm>> -> memref<32768xf32, #tpu.memory_space<hbm>>
    %dma_wait3A_149 = tpu.memref_slice %arg4[%add3A_135] : memref<83886080xf32, #tpu.memory_space<hbm>> -> memref<32768xf32, #tpu.memory_space<hbm>>
    tpu.wait_dma2 semaphore(%arg8 : memref<!tpu.dma_semaphore, #tpu.memory_space<semaphore_mem>>) src(%arg5 : memref<32768xf32, #tpu.memory_space<vmem>>) dst(%dma_wait3A_149 : memref<32768xf32, #tpu.memory_space<hbm>>)
    %dma_wait3A_150 = tpu.memref_slice %arg4[%add3A_139] : memref<83886080xf32, #tpu.memory_space<hbm>> -> memref<32768xf32, #tpu.memory_space<hbm>>
    %dma_wait3A_151 = tpu.memref_slice %arg4[%add3A_139] : memref<83886080xf32, #tpu.memory_space<hbm>> -> memref<32768xf32, #tpu.memory_space<hbm>>
    tpu.wait_dma2 semaphore(%arg8 : memref<!tpu.dma_semaphore, #tpu.memory_space<semaphore_mem>>) src(%arg5 : memref<32768xf32, #tpu.memory_space<vmem>>) dst(%dma_wait3A_151 : memref<32768xf32, #tpu.memory_space<hbm>>)
    %dma_wait3A_152 = tpu.memref_slice %arg4[%add3A_143] : memref<83886080xf32, #tpu.memory_space<hbm>> -> memref<32768xf32, #tpu.memory_space<hbm>>
    %dma_wait3A_153 = tpu.memref_slice %arg4[%add3A_143] : memref<83886080xf32, #tpu.memory_space<hbm>> -> memref<32768xf32, #tpu.memory_space<hbm>>
    tpu.wait_dma2 semaphore(%arg8 : memref<!tpu.dma_semaphore, #tpu.memory_space<semaphore_mem>>) src(%arg5 : memref<32768xf32, #tpu.memory_space<vmem>>) dst(%dma_wait3A_153 : memref<32768xf32, #tpu.memory_space<hbm>>)
    %add3A_154 = arith.constant 786432 : i32
    %add3A_155 = arith.addi %add3A, %add3A_154 : i32
    %dma_start3A_156 = tpu.memref_slice %arg4[%add3A_155] : memref<83886080xf32, #tpu.memory_space<hbm>> -> memref<32768xf32, #tpu.memory_space<hbm>>
    %dma_start3A_157 = tpu.memref_slice %arg4[%add3A_155] : memref<83886080xf32, #tpu.memory_space<hbm>> -> memref<32768xf32, #tpu.memory_space<hbm>>
    tpu.enqueue_dma source(%arg5 : memref<32768xf32, #tpu.memory_space<vmem>>) target(%dma_start3A_157 : memref<32768xf32, #tpu.memory_space<hbm>>) target_semaphore(%arg8 : memref<!tpu.dma_semaphore, #tpu.memory_space<semaphore_mem>>)
    %add3A_158 = arith.constant 819200 : i32
    %add3A_159 = arith.addi %add3A, %add3A_158 : i32
    %dma_start3A_160 = tpu.memref_slice %arg4[%add3A_159] : memref<83886080xf32, #tpu.memory_space<hbm>> -> memref<32768xf32, #tpu.memory_space<hbm>>
    %dma_start3A_161 = tpu.memref_slice %arg4[%add3A_159] : memref<83886080xf32, #tpu.memory_space<hbm>> -> memref<32768xf32, #tpu.memory_space<hbm>>
    tpu.enqueue_dma source(%arg5 : memref<32768xf32, #tpu.memory_space<vmem>>) target(%dma_start3A_161 : memref<32768xf32, #tpu.memory_space<hbm>>) target_semaphore(%arg8 : memref<!tpu.dma_semaphore, #tpu.memory_space<semaphore_mem>>)
    %add3A_162 = arith.constant 851968 : i32
    %add3A_163 = arith.addi %add3A, %add3A_162 : i32
    %dma_start3A_164 = tpu.memref_slice %arg4[%add3A_163] : memref<83886080xf32, #tpu.memory_space<hbm>> -> memref<32768xf32, #tpu.memory_space<hbm>>
    %dma_start3A_165 = tpu.memref_slice %arg4[%add3A_163] : memref<83886080xf32, #tpu.memory_space<hbm>> -> memref<32768xf32, #tpu.memory_space<hbm>>
    tpu.enqueue_dma source(%arg5 : memref<32768xf32, #tpu.memory_space<vmem>>) target(%dma_start3A_165 : memref<32768xf32, #tpu.memory_space<hbm>>) target_semaphore(%arg8 : memref<!tpu.dma_semaphore, #tpu.memory_space<semaphore_mem>>)
    %add3A_166 = arith.constant 884736 : i32
    %add3A_167 = arith.addi %add3A, %add3A_166 : i32
    %dma_start3A_168 = tpu.memref_slice %arg4[%add3A_167] : memref<83886080xf32, #tpu.memory_space<hbm>> -> memref<32768xf32, #tpu.memory_space<hbm>>
    %dma_start3A_169 = tpu.memref_slice %arg4[%add3A_167] : memref<83886080xf32, #tpu.memory_space<hbm>> -> memref<32768xf32, #tpu.memory_space<hbm>>
    tpu.enqueue_dma source(%arg5 : memref<32768xf32, #tpu.memory_space<vmem>>) target(%dma_start3A_169 : memref<32768xf32, #tpu.memory_space<hbm>>) target_semaphore(%arg8 : memref<!tpu.dma_semaphore, #tpu.memory_space<semaphore_mem>>)
    %dma_wait3A_170 = tpu.memref_slice %arg4[%add3A_155] : memref<83886080xf32, #tpu.memory_space<hbm>> -> memref<32768xf32, #tpu.memory_space<hbm>>
    %dma_wait3A_171 = tpu.memref_slice %arg4[%add3A_155] : memref<83886080xf32, #tpu.memory_space<hbm>> -> memref<32768xf32, #tpu.memory_space<hbm>>
    tpu.wait_dma2 semaphore(%arg8 : memref<!tpu.dma_semaphore, #tpu.memory_space<semaphore_mem>>) src(%arg5 : memref<32768xf32, #tpu.memory_space<vmem>>) dst(%dma_wait3A_171 : memref<32768xf32, #tpu.memory_space<hbm>>)
    %dma_wait3A_172 = tpu.memref_slice %arg4[%add3A_159] : memref<83886080xf32, #tpu.memory_space<hbm>> -> memref<32768xf32, #tpu.memory_space<hbm>>
    %dma_wait3A_173 = tpu.memref_slice %arg4[%add3A_159] : memref<83886080xf32, #tpu.memory_space<hbm>> -> memref<32768xf32, #tpu.memory_space<hbm>>
    tpu.wait_dma2 semaphore(%arg8 : memref<!tpu.dma_semaphore, #tpu.memory_space<semaphore_mem>>) src(%arg5 : memref<32768xf32, #tpu.memory_space<vmem>>) dst(%dma_wait3A_173 : memref<32768xf32, #tpu.memory_space<hbm>>)
    %dma_wait3A_174 = tpu.memref_slice %arg4[%add3A_163] : memref<83886080xf32, #tpu.memory_space<hbm>> -> memref<32768xf32, #tpu.memory_space<hbm>>
    %dma_wait3A_175 = tpu.memref_slice %arg4[%add3A_163] : memref<83886080xf32, #tpu.memory_space<hbm>> -> memref<32768xf32, #tpu.memory_space<hbm>>
    tpu.wait_dma2 semaphore(%arg8 : memref<!tpu.dma_semaphore, #tpu.memory_space<semaphore_mem>>) src(%arg5 : memref<32768xf32, #tpu.memory_space<vmem>>) dst(%dma_wait3A_175 : memref<32768xf32, #tpu.memory_space<hbm>>)
    %dma_wait3A_176 = tpu.memref_slice %arg4[%add3A_167] : memref<83886080xf32, #tpu.memory_space<hbm>> -> memref<32768xf32, #tpu.memory_space<hbm>>
    %dma_wait3A_177 = tpu.memref_slice %arg4[%add3A_167] : memref<83886080xf32, #tpu.memory_space<hbm>> -> memref<32768xf32, #tpu.memory_space<hbm>>
    tpu.wait_dma2 semaphore(%arg8 : memref<!tpu.dma_semaphore, #tpu.memory_space<semaphore_mem>>) src(%arg5 : memref<32768xf32, #tpu.memory_space<vmem>>) dst(%dma_wait3A_177 : memref<32768xf32, #tpu.memory_space<hbm>>)
    %add3A_178 = arith.constant 917504 : i32
    %add3A_179 = arith.addi %add3A, %add3A_178 : i32
    %dma_start3A_180 = tpu.memref_slice %arg4[%add3A_179] : memref<83886080xf32, #tpu.memory_space<hbm>> -> memref<32768xf32, #tpu.memory_space<hbm>>
    %dma_start3A_181 = tpu.memref_slice %arg4[%add3A_179] : memref<83886080xf32, #tpu.memory_space<hbm>> -> memref<32768xf32, #tpu.memory_space<hbm>>
    tpu.enqueue_dma source(%arg5 : memref<32768xf32, #tpu.memory_space<vmem>>) target(%dma_start3A_181 : memref<32768xf32, #tpu.memory_space<hbm>>) target_semaphore(%arg8 : memref<!tpu.dma_semaphore, #tpu.memory_space<semaphore_mem>>)
    %add3A_182 = arith.constant 950272 : i32
    %add3A_183 = arith.addi %add3A, %add3A_182 : i32
    %dma_start3A_184 = tpu.memref_slice %arg4[%add3A_183] : memref<83886080xf32, #tpu.memory_space<hbm>> -> memref<32768xf32, #tpu.memory_space<hbm>>
    %dma_start3A_185 = tpu.memref_slice %arg4[%add3A_183] : memref<83886080xf32, #tpu.memory_space<hbm>> -> memref<32768xf32, #tpu.memory_space<hbm>>
    tpu.enqueue_dma source(%arg5 : memref<32768xf32, #tpu.memory_space<vmem>>) target(%dma_start3A_185 : memref<32768xf32, #tpu.memory_space<hbm>>) target_semaphore(%arg8 : memref<!tpu.dma_semaphore, #tpu.memory_space<semaphore_mem>>)
    %add3A_186 = arith.constant 983040 : i32
    %add3A_187 = arith.addi %add3A, %add3A_186 : i32
    %dma_start3A_188 = tpu.memref_slice %arg4[%add3A_187] : memref<83886080xf32, #tpu.memory_space<hbm>> -> memref<32768xf32, #tpu.memory_space<hbm>>
    %dma_start3A_189 = tpu.memref_slice %arg4[%add3A_187] : memref<83886080xf32, #tpu.memory_space<hbm>> -> memref<32768xf32, #tpu.memory_space<hbm>>
    tpu.enqueue_dma source(%arg5 : memref<32768xf32, #tpu.memory_space<vmem>>) target(%dma_start3A_189 : memref<32768xf32, #tpu.memory_space<hbm>>) target_semaphore(%arg8 : memref<!tpu.dma_semaphore, #tpu.memory_space<semaphore_mem>>)
    %add3A_190 = arith.constant 1015808 : i32
    %add3A_191 = arith.addi %add3A, %add3A_190 : i32
    %dma_start3A_192 = tpu.memref_slice %arg4[%add3A_191] : memref<83886080xf32, #tpu.memory_space<hbm>> -> memref<32768xf32, #tpu.memory_space<hbm>>
    %dma_start3A_193 = tpu.memref_slice %arg4[%add3A_191] : memref<83886080xf32, #tpu.memory_space<hbm>> -> memref<32768xf32, #tpu.memory_space<hbm>>
    tpu.enqueue_dma source(%arg5 : memref<32768xf32, #tpu.memory_space<vmem>>) target(%dma_start3A_193 : memref<32768xf32, #tpu.memory_space<hbm>>) target_semaphore(%arg8 : memref<!tpu.dma_semaphore, #tpu.memory_space<semaphore_mem>>)
    %dma_wait3A_194 = tpu.memref_slice %arg4[%add3A_179] : memref<83886080xf32, #tpu.memory_space<hbm>> -> memref<32768xf32, #tpu.memory_space<hbm>>
    %dma_wait3A_195 = tpu.memref_slice %arg4[%add3A_179] : memref<83886080xf32, #tpu.memory_space<hbm>> -> memref<32768xf32, #tpu.memory_space<hbm>>
    tpu.wait_dma2 semaphore(%arg8 : memref<!tpu.dma_semaphore, #tpu.memory_space<semaphore_mem>>) src(%arg5 : memref<32768xf32, #tpu.memory_space<vmem>>) dst(%dma_wait3A_195 : memref<32768xf32, #tpu.memory_space<hbm>>)
    %dma_wait3A_196 = tpu.memref_slice %arg4[%add3A_183] : memref<83886080xf32, #tpu.memory_space<hbm>> -> memref<32768xf32, #tpu.memory_space<hbm>>
    %dma_wait3A_197 = tpu.memref_slice %arg4[%add3A_183] : memref<83886080xf32, #tpu.memory_space<hbm>> -> memref<32768xf32, #tpu.memory_space<hbm>>
    tpu.wait_dma2 semaphore(%arg8 : memref<!tpu.dma_semaphore, #tpu.memory_space<semaphore_mem>>) src(%arg5 : memref<32768xf32, #tpu.memory_space<vmem>>) dst(%dma_wait3A_197 : memref<32768xf32, #tpu.memory_space<hbm>>)
    %dma_wait3A_198 = tpu.memref_slice %arg4[%add3A_187] : memref<83886080xf32, #tpu.memory_space<hbm>> -> memref<32768xf32, #tpu.memory_space<hbm>>
    %dma_wait3A_199 = tpu.memref_slice %arg4[%add3A_187] : memref<83886080xf32, #tpu.memory_space<hbm>> -> memref<32768xf32, #tpu.memory_space<hbm>>
    tpu.wait_dma2 semaphore(%arg8 : memref<!tpu.dma_semaphore, #tpu.memory_space<semaphore_mem>>) src(%arg5 : memref<32768xf32, #tpu.memory_space<vmem>>) dst(%dma_wait3A_199 : memref<32768xf32, #tpu.memory_space<hbm>>)
    %dma_wait3A_200 = tpu.memref_slice %arg4[%add3A_191] : memref<83886080xf32, #tpu.memory_space<hbm>> -> memref<32768xf32, #tpu.memory_space<hbm>>
    %dma_wait3A_201 = tpu.memref_slice %arg4[%add3A_191] : memref<83886080xf32, #tpu.memory_space<hbm>> -> memref<32768xf32, #tpu.memory_space<hbm>>
    tpu.wait_dma2 semaphore(%arg8 : memref<!tpu.dma_semaphore, #tpu.memory_space<semaphore_mem>>) src(%arg5 : memref<32768xf32, #tpu.memory_space<vmem>>) dst(%dma_wait3A_201 : memref<32768xf32, #tpu.memory_space<hbm>>)
    %add3A_202 = arith.constant 1048576 : i32
    %add3A_203 = arith.addi %add3A, %add3A_202 : i32
    %dma_start3A_204 = tpu.memref_slice %arg4[%add3A_203] : memref<83886080xf32, #tpu.memory_space<hbm>> -> memref<32768xf32, #tpu.memory_space<hbm>>
    %dma_start3A_205 = tpu.memref_slice %arg4[%add3A_203] : memref<83886080xf32, #tpu.memory_space<hbm>> -> memref<32768xf32, #tpu.memory_space<hbm>>
    tpu.enqueue_dma source(%arg5 : memref<32768xf32, #tpu.memory_space<vmem>>) target(%dma_start3A_205 : memref<32768xf32, #tpu.memory_space<hbm>>) target_semaphore(%arg8 : memref<!tpu.dma_semaphore, #tpu.memory_space<semaphore_mem>>)
    %add3A_206 = arith.constant 1081344 : i32
    %add3A_207 = arith.addi %add3A, %add3A_206 : i32
    %dma_start3A_208 = tpu.memref_slice %arg4[%add3A_207] : memref<83886080xf32, #tpu.memory_space<hbm>> -> memref<32768xf32, #tpu.memory_space<hbm>>
    %dma_start3A_209 = tpu.memref_slice %arg4[%add3A_207] : memref<83886080xf32, #tpu.memory_space<hbm>> -> memref<32768xf32, #tpu.memory_space<hbm>>
    tpu.enqueue_dma source(%arg5 : memref<32768xf32, #tpu.memory_space<vmem>>) target(%dma_start3A_209 : memref<32768xf32, #tpu.memory_space<hbm>>) target_semaphore(%arg8 : memref<!tpu.dma_semaphore, #tpu.memory_space<semaphore_mem>>)
    %add3A_210 = arith.constant 1114112 : i32
    %add3A_211 = arith.addi %add3A, %add3A_210 : i32
    %dma_start3A_212 = tpu.memref_slice %arg4[%add3A_211] : memref<83886080xf32, #tpu.memory_space<hbm>> -> memref<32768xf32, #tpu.memory_space<hbm>>
    %dma_start3A_213 = tpu.memref_slice %arg4[%add3A_211] : memref<83886080xf32, #tpu.memory_space<hbm>> -> memref<32768xf32, #tpu.memory_space<hbm>>
    tpu.enqueue_dma source(%arg5 : memref<32768xf32, #tpu.memory_space<vmem>>) target(%dma_start3A_213 : memref<32768xf32, #tpu.memory_space<hbm>>) target_semaphore(%arg8 : memref<!tpu.dma_semaphore, #tpu.memory_space<semaphore_mem>>)
    %add3A_214 = arith.constant 1146880 : i32
    %add3A_215 = arith.addi %add3A, %add3A_214 : i32
    %dma_start3A_216 = tpu.memref_slice %arg4[%add3A_215] : memref<83886080xf32, #tpu.memory_space<hbm>> -> memref<32768xf32, #tpu.memory_space<hbm>>
    %dma_start3A_217 = tpu.memref_slice %arg4[%add3A_215] : memref<83886080xf32, #tpu.memory_space<hbm>> -> memref<32768xf32, #tpu.memory_space<hbm>>
    tpu.enqueue_dma source(%arg5 : memref<32768xf32, #tpu.memory_space<vmem>>) target(%dma_start3A_217 : memref<32768xf32, #tpu.memory_space<hbm>>) target_semaphore(%arg8 : memref<!tpu.dma_semaphore, #tpu.memory_space<semaphore_mem>>)
    %dma_wait3A_218 = tpu.memref_slice %arg4[%add3A_203] : memref<83886080xf32, #tpu.memory_space<hbm>> -> memref<32768xf32, #tpu.memory_space<hbm>>
    %dma_wait3A_219 = tpu.memref_slice %arg4[%add3A_203] : memref<83886080xf32, #tpu.memory_space<hbm>> -> memref<32768xf32, #tpu.memory_space<hbm>>
    tpu.wait_dma2 semaphore(%arg8 : memref<!tpu.dma_semaphore, #tpu.memory_space<semaphore_mem>>) src(%arg5 : memref<32768xf32, #tpu.memory_space<vmem>>) dst(%dma_wait3A_219 : memref<32768xf32, #tpu.memory_space<hbm>>)
    %dma_wait3A_220 = tpu.memref_slice %arg4[%add3A_207] : memref<83886080xf32, #tpu.memory_space<hbm>> -> memref<32768xf32, #tpu.memory_space<hbm>>
    %dma_wait3A_221 = tpu.memref_slice %arg4[%add3A_207] : memref<83886080xf32, #tpu.memory_space<hbm>> -> memref<32768xf32, #tpu.memory_space<hbm>>
    tpu.wait_dma2 semaphore(%arg8 : memref<!tpu.dma_semaphore, #tpu.memory_space<semaphore_mem>>) src(%arg5 : memref<32768xf32, #tpu.memory_space<vmem>>) dst(%dma_wait3A_221 : memref<32768xf32, #tpu.memory_space<hbm>>)
    %dma_wait3A_222 = tpu.memref_slice %arg4[%add3A_211] : memref<83886080xf32, #tpu.memory_space<hbm>> -> memref<32768xf32, #tpu.memory_space<hbm>>
    %dma_wait3A_223 = tpu.memref_slice %arg4[%add3A_211] : memref<83886080xf32, #tpu.memory_space<hbm>> -> memref<32768xf32, #tpu.memory_space<hbm>>
    tpu.wait_dma2 semaphore(%arg8 : memref<!tpu.dma_semaphore, #tpu.memory_space<semaphore_mem>>) src(%arg5 : memref<32768xf32, #tpu.memory_space<vmem>>) dst(%dma_wait3A_223 : memref<32768xf32, #tpu.memory_space<hbm>>)
    %dma_wait3A_224 = tpu.memref_slice %arg4[%add3A_215] : memref<83886080xf32, #tpu.memory_space<hbm>> -> memref<32768xf32, #tpu.memory_space<hbm>>
    %dma_wait3A_225 = tpu.memref_slice %arg4[%add3A_215] : memref<83886080xf32, #tpu.memory_space<hbm>> -> memref<32768xf32, #tpu.memory_space<hbm>>
    tpu.wait_dma2 semaphore(%arg8 : memref<!tpu.dma_semaphore, #tpu.memory_space<semaphore_mem>>) src(%arg5 : memref<32768xf32, #tpu.memory_space<vmem>>) dst(%dma_wait3A_225 : memref<32768xf32, #tpu.memory_space<hbm>>)
    %add3A_226 = arith.constant 1179648 : i32
    %add3A_227 = arith.addi %add3A, %add3A_226 : i32
    %dma_start3A_228 = tpu.memref_slice %arg4[%add3A_227] : memref<83886080xf32, #tpu.memory_space<hbm>> -> memref<32768xf32, #tpu.memory_space<hbm>>
    %dma_start3A_229 = tpu.memref_slice %arg4[%add3A_227] : memref<83886080xf32, #tpu.memory_space<hbm>> -> memref<32768xf32, #tpu.memory_space<hbm>>
    tpu.enqueue_dma source(%arg5 : memref<32768xf32, #tpu.memory_space<vmem>>) target(%dma_start3A_229 : memref<32768xf32, #tpu.memory_space<hbm>>) target_semaphore(%arg8 : memref<!tpu.dma_semaphore, #tpu.memory_space<semaphore_mem>>)
    %add3A_230 = arith.constant 1212416 : i32
    %add3A_231 = arith.addi %add3A, %add3A_230 : i32
    %dma_start3A_232 = tpu.memref_slice %arg4[%add3A_231] : memref<83886080xf32, #tpu.memory_space<hbm>> -> memref<32768xf32, #tpu.memory_space<hbm>>
    %dma_start3A_233 = tpu.memref_slice %arg4[%add3A_231] : memref<83886080xf32, #tpu.memory_space<hbm>> -> memref<32768xf32, #tpu.memory_space<hbm>>
    tpu.enqueue_dma source(%arg5 : memref<32768xf32, #tpu.memory_space<vmem>>) target(%dma_start3A_233 : memref<32768xf32, #tpu.memory_space<hbm>>) target_semaphore(%arg8 : memref<!tpu.dma_semaphore, #tpu.memory_space<semaphore_mem>>)
    %add3A_234 = arith.constant 1245184 : i32
    %add3A_235 = arith.addi %add3A, %add3A_234 : i32
    %dma_start3A_236 = tpu.memref_slice %arg4[%add3A_235] : memref<83886080xf32, #tpu.memory_space<hbm>> -> memref<32768xf32, #tpu.memory_space<hbm>>
    %dma_start3A_237 = tpu.memref_slice %arg4[%add3A_235] : memref<83886080xf32, #tpu.memory_space<hbm>> -> memref<32768xf32, #tpu.memory_space<hbm>>
    tpu.enqueue_dma source(%arg5 : memref<32768xf32, #tpu.memory_space<vmem>>) target(%dma_start3A_237 : memref<32768xf32, #tpu.memory_space<hbm>>) target_semaphore(%arg8 : memref<!tpu.dma_semaphore, #tpu.memory_space<semaphore_mem>>)
    %add3A_238 = arith.constant 1277952 : i32
    %add3A_239 = arith.addi %add3A, %add3A_238 : i32
    %dma_start3A_240 = tpu.memref_slice %arg4[%add3A_239] : memref<83886080xf32, #tpu.memory_space<hbm>> -> memref<32768xf32, #tpu.memory_space<hbm>>
    %dma_start3A_241 = tpu.memref_slice %arg4[%add3A_239] : memref<83886080xf32, #tpu.memory_space<hbm>> -> memref<32768xf32, #tpu.memory_space<hbm>>
    tpu.enqueue_dma source(%arg5 : memref<32768xf32, #tpu.memory_space<vmem>>) target(%dma_start3A_241 : memref<32768xf32, #tpu.memory_space<hbm>>) target_semaphore(%arg8 : memref<!tpu.dma_semaphore, #tpu.memory_space<semaphore_mem>>)
    %dma_wait3A_242 = tpu.memref_slice %arg4[%add3A_227] : memref<83886080xf32, #tpu.memory_space<hbm>> -> memref<32768xf32, #tpu.memory_space<hbm>>
    %dma_wait3A_243 = tpu.memref_slice %arg4[%add3A_227] : memref<83886080xf32, #tpu.memory_space<hbm>> -> memref<32768xf32, #tpu.memory_space<hbm>>
    tpu.wait_dma2 semaphore(%arg8 : memref<!tpu.dma_semaphore, #tpu.memory_space<semaphore_mem>>) src(%arg5 : memref<32768xf32, #tpu.memory_space<vmem>>) dst(%dma_wait3A_243 : memref<32768xf32, #tpu.memory_space<hbm>>)
    %dma_wait3A_244 = tpu.memref_slice %arg4[%add3A_231] : memref<83886080xf32, #tpu.memory_space<hbm>> -> memref<32768xf32, #tpu.memory_space<hbm>>
    %dma_wait3A_245 = tpu.memref_slice %arg4[%add3A_231] : memref<83886080xf32, #tpu.memory_space<hbm>> -> memref<32768xf32, #tpu.memory_space<hbm>>
    tpu.wait_dma2 semaphore(%arg8 : memref<!tpu.dma_semaphore, #tpu.memory_space<semaphore_mem>>) src(%arg5 : memref<32768xf32, #tpu.memory_space<vmem>>) dst(%dma_wait3A_245 : memref<32768xf32, #tpu.memory_space<hbm>>)
    %dma_wait3A_246 = tpu.memref_slice %arg4[%add3A_235] : memref<83886080xf32, #tpu.memory_space<hbm>> -> memref<32768xf32, #tpu.memory_space<hbm>>
    %dma_wait3A_247 = tpu.memref_slice %arg4[%add3A_235] : memref<83886080xf32, #tpu.memory_space<hbm>> -> memref<32768xf32, #tpu.memory_space<hbm>>
    tpu.wait_dma2 semaphore(%arg8 : memref<!tpu.dma_semaphore, #tpu.memory_space<semaphore_mem>>) src(%arg5 : memref<32768xf32, #tpu.memory_space<vmem>>) dst(%dma_wait3A_247 : memref<32768xf32, #tpu.memory_space<hbm>>)
    %dma_wait3A_248 = tpu.memref_slice %arg4[%add3A_239] : memref<83886080xf32, #tpu.memory_space<hbm>> -> memref<32768xf32, #tpu.memory_space<hbm>>
    %dma_wait3A_249 = tpu.memref_slice %arg4[%add3A_239] : memref<83886080xf32, #tpu.memory_space<hbm>> -> memref<32768xf32, #tpu.memory_space<hbm>>
    tpu.wait_dma2 semaphore(%arg8 : memref<!tpu.dma_semaphore, #tpu.memory_space<semaphore_mem>>) src(%arg5 : memref<32768xf32, #tpu.memory_space<vmem>>) dst(%dma_wait3A_249 : memref<32768xf32, #tpu.memory_space<hbm>>)
    %add3A_250 = arith.constant 1310720 : i32
    %add3A_251 = arith.addi %add3A, %add3A_250 : i32
    %dma_start3A_252 = tpu.memref_slice %arg4[%add3A_251] : memref<83886080xf32, #tpu.memory_space<hbm>> -> memref<32768xf32, #tpu.memory_space<hbm>>
    %dma_start3A_253 = tpu.memref_slice %arg4[%add3A_251] : memref<83886080xf32, #tpu.memory_space<hbm>> -> memref<32768xf32, #tpu.memory_space<hbm>>
    tpu.enqueue_dma source(%arg5 : memref<32768xf32, #tpu.memory_space<vmem>>) target(%dma_start3A_253 : memref<32768xf32, #tpu.memory_space<hbm>>) target_semaphore(%arg8 : memref<!tpu.dma_semaphore, #tpu.memory_space<semaphore_mem>>)
    %add3A_254 = arith.constant 1343488 : i32
    %add3A_255 = arith.addi %add3A, %add3A_254 : i32
    %dma_start3A_256 = tpu.memref_slice %arg4[%add3A_255] : memref<83886080xf32, #tpu.memory_space<hbm>> -> memref<32768xf32, #tpu.memory_space<hbm>>
    %dma_start3A_257 = tpu.memref_slice %arg4[%add3A_255] : memref<83886080xf32, #tpu.memory_space<hbm>> -> memref<32768xf32, #tpu.memory_space<hbm>>
    tpu.enqueue_dma source(%arg5 : memref<32768xf32, #tpu.memory_space<vmem>>) target(%dma_start3A_257 : memref<32768xf32, #tpu.memory_space<hbm>>) target_semaphore(%arg8 : memref<!tpu.dma_semaphore, #tpu.memory_space<semaphore_mem>>)
    %add3A_258 = arith.constant 1376256 : i32
    %add3A_259 = arith.addi %add3A, %add3A_258 : i32
    %dma_start3A_260 = tpu.memref_slice %arg4[%add3A_259] : memref<83886080xf32, #tpu.memory_space<hbm>> -> memref<32768xf32, #tpu.memory_space<hbm>>
    %dma_start3A_261 = tpu.memref_slice %arg4[%add3A_259] : memref<83886080xf32, #tpu.memory_space<hbm>> -> memref<32768xf32, #tpu.memory_space<hbm>>
    tpu.enqueue_dma source(%arg5 : memref<32768xf32, #tpu.memory_space<vmem>>) target(%dma_start3A_261 : memref<32768xf32, #tpu.memory_space<hbm>>) target_semaphore(%arg8 : memref<!tpu.dma_semaphore, #tpu.memory_space<semaphore_mem>>)
    %add3A_262 = arith.constant 1409024 : i32
    %add3A_263 = arith.addi %add3A, %add3A_262 : i32
    %dma_start3A_264 = tpu.memref_slice %arg4[%add3A_263] : memref<83886080xf32, #tpu.memory_space<hbm>> -> memref<32768xf32, #tpu.memory_space<hbm>>
    %dma_start3A_265 = tpu.memref_slice %arg4[%add3A_263] : memref<83886080xf32, #tpu.memory_space<hbm>> -> memref<32768xf32, #tpu.memory_space<hbm>>
    tpu.enqueue_dma source(%arg5 : memref<32768xf32, #tpu.memory_space<vmem>>) target(%dma_start3A_265 : memref<32768xf32, #tpu.memory_space<hbm>>) target_semaphore(%arg8 : memref<!tpu.dma_semaphore, #tpu.memory_space<semaphore_mem>>)
    %dma_wait3A_266 = tpu.memref_slice %arg4[%add3A_251] : memref<83886080xf32, #tpu.memory_space<hbm>> -> memref<32768xf32, #tpu.memory_space<hbm>>
    %dma_wait3A_267 = tpu.memref_slice %arg4[%add3A_251] : memref<83886080xf32, #tpu.memory_space<hbm>> -> memref<32768xf32, #tpu.memory_space<hbm>>
    tpu.wait_dma2 semaphore(%arg8 : memref<!tpu.dma_semaphore, #tpu.memory_space<semaphore_mem>>) src(%arg5 : memref<32768xf32, #tpu.memory_space<vmem>>) dst(%dma_wait3A_267 : memref<32768xf32, #tpu.memory_space<hbm>>)
    %dma_wait3A_268 = tpu.memref_slice %arg4[%add3A_255] : memref<83886080xf32, #tpu.memory_space<hbm>> -> memref<32768xf32, #tpu.memory_space<hbm>>
    %dma_wait3A_269 = tpu.memref_slice %arg4[%add3A_255] : memref<83886080xf32, #tpu.memory_space<hbm>> -> memref<32768xf32, #tpu.memory_space<hbm>>
    tpu.wait_dma2 semaphore(%arg8 : memref<!tpu.dma_semaphore, #tpu.memory_space<semaphore_mem>>) src(%arg5 : memref<32768xf32, #tpu.memory_space<vmem>>) dst(%dma_wait3A_269 : memref<32768xf32, #tpu.memory_space<hbm>>)
    %dma_wait3A_270 = tpu.memref_slice %arg4[%add3A_259] : memref<83886080xf32, #tpu.memory_space<hbm>> -> memref<32768xf32, #tpu.memory_space<hbm>>
    %dma_wait3A_271 = tpu.memref_slice %arg4[%add3A_259] : memref<83886080xf32, #tpu.memory_space<hbm>> -> memref<32768xf32, #tpu.memory_space<hbm>>
    tpu.wait_dma2 semaphore(%arg8 : memref<!tpu.dma_semaphore, #tpu.memory_space<semaphore_mem>>) src(%arg5 : memref<32768xf32, #tpu.memory_space<vmem>>) dst(%dma_wait3A_271 : memref<32768xf32, #tpu.memory_space<hbm>>)
    %dma_wait3A_272 = tpu.memref_slice %arg4[%add3A_263] : memref<83886080xf32, #tpu.memory_space<hbm>> -> memref<32768xf32, #tpu.memory_space<hbm>>
    %dma_wait3A_273 = tpu.memref_slice %arg4[%add3A_263] : memref<83886080xf32, #tpu.memory_space<hbm>> -> memref<32768xf32, #tpu.memory_space<hbm>>
    tpu.wait_dma2 semaphore(%arg8 : memref<!tpu.dma_semaphore, #tpu.memory_space<semaphore_mem>>) src(%arg5 : memref<32768xf32, #tpu.memory_space<vmem>>) dst(%dma_wait3A_273 : memref<32768xf32, #tpu.memory_space<hbm>>)
    %add3A_274 = arith.constant 1441792 : i32
    %add3A_275 = arith.addi %add3A, %add3A_274 : i32
    %dma_start3A_276 = tpu.memref_slice %arg4[%add3A_275] : memref<83886080xf32, #tpu.memory_space<hbm>> -> memref<32768xf32, #tpu.memory_space<hbm>>
    %dma_start3A_277 = tpu.memref_slice %arg4[%add3A_275] : memref<83886080xf32, #tpu.memory_space<hbm>> -> memref<32768xf32, #tpu.memory_space<hbm>>
    tpu.enqueue_dma source(%arg5 : memref<32768xf32, #tpu.memory_space<vmem>>) target(%dma_start3A_277 : memref<32768xf32, #tpu.memory_space<hbm>>) target_semaphore(%arg8 : memref<!tpu.dma_semaphore, #tpu.memory_space<semaphore_mem>>)
    %add3A_278 = arith.constant 1474560 : i32
    %add3A_279 = arith.addi %add3A, %add3A_278 : i32
    %dma_start3A_280 = tpu.memref_slice %arg4[%add3A_279] : memref<83886080xf32, #tpu.memory_space<hbm>> -> memref<32768xf32, #tpu.memory_space<hbm>>
    %dma_start3A_281 = tpu.memref_slice %arg4[%add3A_279] : memref<83886080xf32, #tpu.memory_space<hbm>> -> memref<32768xf32, #tpu.memory_space<hbm>>
    tpu.enqueue_dma source(%arg5 : memref<32768xf32, #tpu.memory_space<vmem>>) target(%dma_start3A_281 : memref<32768xf32, #tpu.memory_space<hbm>>) target_semaphore(%arg8 : memref<!tpu.dma_semaphore, #tpu.memory_space<semaphore_mem>>)
    %add3A_282 = arith.constant 1507328 : i32
    %add3A_283 = arith.addi %add3A, %add3A_282 : i32
    %dma_start3A_284 = tpu.memref_slice %arg4[%add3A_283] : memref<83886080xf32, #tpu.memory_space<hbm>> -> memref<32768xf32, #tpu.memory_space<hbm>>
    %dma_start3A_285 = tpu.memref_slice %arg4[%add3A_283] : memref<83886080xf32, #tpu.memory_space<hbm>> -> memref<32768xf32, #tpu.memory_space<hbm>>
    tpu.enqueue_dma source(%arg5 : memref<32768xf32, #tpu.memory_space<vmem>>) target(%dma_start3A_285 : memref<32768xf32, #tpu.memory_space<hbm>>) target_semaphore(%arg8 : memref<!tpu.dma_semaphore, #tpu.memory_space<semaphore_mem>>)
    %add3A_286 = arith.constant 1540096 : i32
    %add3A_287 = arith.addi %add3A, %add3A_286 : i32
    %dma_start3A_288 = tpu.memref_slice %arg4[%add3A_287] : memref<83886080xf32, #tpu.memory_space<hbm>> -> memref<32768xf32, #tpu.memory_space<hbm>>
    %dma_start3A_289 = tpu.memref_slice %arg4[%add3A_287] : memref<83886080xf32, #tpu.memory_space<hbm>> -> memref<32768xf32, #tpu.memory_space<hbm>>
    tpu.enqueue_dma source(%arg5 : memref<32768xf32, #tpu.memory_space<vmem>>) target(%dma_start3A_289 : memref<32768xf32, #tpu.memory_space<hbm>>) target_semaphore(%arg8 : memref<!tpu.dma_semaphore, #tpu.memory_space<semaphore_mem>>)
    %dma_wait3A_290 = tpu.memref_slice %arg4[%add3A_275] : memref<83886080xf32, #tpu.memory_space<hbm>> -> memref<32768xf32, #tpu.memory_space<hbm>>
    %dma_wait3A_291 = tpu.memref_slice %arg4[%add3A_275] : memref<83886080xf32, #tpu.memory_space<hbm>> -> memref<32768xf32, #tpu.memory_space<hbm>>
    tpu.wait_dma2 semaphore(%arg8 : memref<!tpu.dma_semaphore, #tpu.memory_space<semaphore_mem>>) src(%arg5 : memref<32768xf32, #tpu.memory_space<vmem>>) dst(%dma_wait3A_291 : memref<32768xf32, #tpu.memory_space<hbm>>)
    %dma_wait3A_292 = tpu.memref_slice %arg4[%add3A_279] : memref<83886080xf32, #tpu.memory_space<hbm>> -> memref<32768xf32, #tpu.memory_space<hbm>>
    %dma_wait3A_293 = tpu.memref_slice %arg4[%add3A_279] : memref<83886080xf32, #tpu.memory_space<hbm>> -> memref<32768xf32, #tpu.memory_space<hbm>>
    tpu.wait_dma2 semaphore(%arg8 : memref<!tpu.dma_semaphore, #tpu.memory_space<semaphore_mem>>) src(%arg5 : memref<32768xf32, #tpu.memory_space<vmem>>) dst(%dma_wait3A_293 : memref<32768xf32, #tpu.memory_space<hbm>>)
    %dma_wait3A_294 = tpu.memref_slice %arg4[%add3A_283] : memref<83886080xf32, #tpu.memory_space<hbm>> -> memref<32768xf32, #tpu.memory_space<hbm>>
    %dma_wait3A_295 = tpu.memref_slice %arg4[%add3A_283] : memref<83886080xf32, #tpu.memory_space<hbm>> -> memref<32768xf32, #tpu.memory_space<hbm>>
    tpu.wait_dma2 semaphore(%arg8 : memref<!tpu.dma_semaphore, #tpu.memory_space<semaphore_mem>>) src(%arg5 : memref<32768xf32, #tpu.memory_space<vmem>>) dst(%dma_wait3A_295 : memref<32768xf32, #tpu.memory_space<hbm>>)
    %dma_wait3A_296 = tpu.memref_slice %arg4[%add3A_287] : memref<83886080xf32, #tpu.memory_space<hbm>> -> memref<32768xf32, #tpu.memory_space<hbm>>
    %dma_wait3A_297 = tpu.memref_slice %arg4[%add3A_287] : memref<83886080xf32, #tpu.memory_space<hbm>> -> memref<32768xf32, #tpu.memory_space<hbm>>
    tpu.wait_dma2 semaphore(%arg8 : memref<!tpu.dma_semaphore, #tpu.memory_space<semaphore_mem>>) src(%arg5 : memref<32768xf32, #tpu.memory_space<vmem>>) dst(%dma_wait3A_297 : memref<32768xf32, #tpu.memory_space<hbm>>)
    %add3A_298 = arith.constant 1572864 : i32
    %add3A_299 = arith.addi %add3A, %add3A_298 : i32
    %dma_start3A_300 = tpu.memref_slice %arg4[%add3A_299] : memref<83886080xf32, #tpu.memory_space<hbm>> -> memref<32768xf32, #tpu.memory_space<hbm>>
    %dma_start3A_301 = tpu.memref_slice %arg4[%add3A_299] : memref<83886080xf32, #tpu.memory_space<hbm>> -> memref<32768xf32, #tpu.memory_space<hbm>>
    tpu.enqueue_dma source(%arg5 : memref<32768xf32, #tpu.memory_space<vmem>>) target(%dma_start3A_301 : memref<32768xf32, #tpu.memory_space<hbm>>) target_semaphore(%arg8 : memref<!tpu.dma_semaphore, #tpu.memory_space<semaphore_mem>>)
    %add3A_302 = arith.constant 1605632 : i32
    %add3A_303 = arith.addi %add3A, %add3A_302 : i32
    %dma_start3A_304 = tpu.memref_slice %arg4[%add3A_303] : memref<83886080xf32, #tpu.memory_space<hbm>> -> memref<32768xf32, #tpu.memory_space<hbm>>
    %dma_start3A_305 = tpu.memref_slice %arg4[%add3A_303] : memref<83886080xf32, #tpu.memory_space<hbm>> -> memref<32768xf32, #tpu.memory_space<hbm>>
    tpu.enqueue_dma source(%arg5 : memref<32768xf32, #tpu.memory_space<vmem>>) target(%dma_start3A_305 : memref<32768xf32, #tpu.memory_space<hbm>>) target_semaphore(%arg8 : memref<!tpu.dma_semaphore, #tpu.memory_space<semaphore_mem>>)
    %add3A_306 = arith.constant 1638400 : i32
    %add3A_307 = arith.addi %add3A, %add3A_306 : i32
    %dma_start3A_308 = tpu.memref_slice %arg4[%add3A_307] : memref<83886080xf32, #tpu.memory_space<hbm>> -> memref<32768xf32, #tpu.memory_space<hbm>>
    %dma_start3A_309 = tpu.memref_slice %arg4[%add3A_307] : memref<83886080xf32, #tpu.memory_space<hbm>> -> memref<32768xf32, #tpu.memory_space<hbm>>
    tpu.enqueue_dma source(%arg5 : memref<32768xf32, #tpu.memory_space<vmem>>) target(%dma_start3A_309 : memref<32768xf32, #tpu.memory_space<hbm>>) target_semaphore(%arg8 : memref<!tpu.dma_semaphore, #tpu.memory_space<semaphore_mem>>)
    %add3A_310 = arith.constant 1671168 : i32
    %add3A_311 = arith.addi %add3A, %add3A_310 : i32
    %dma_start3A_312 = tpu.memref_slice %arg4[%add3A_311] : memref<83886080xf32, #tpu.memory_space<hbm>> -> memref<32768xf32, #tpu.memory_space<hbm>>
    %dma_start3A_313 = tpu.memref_slice %arg4[%add3A_311] : memref<83886080xf32, #tpu.memory_space<hbm>> -> memref<32768xf32, #tpu.memory_space<hbm>>
    tpu.enqueue_dma source(%arg5 : memref<32768xf32, #tpu.memory_space<vmem>>) target(%dma_start3A_313 : memref<32768xf32, #tpu.memory_space<hbm>>) target_semaphore(%arg8 : memref<!tpu.dma_semaphore, #tpu.memory_space<semaphore_mem>>)
    %dma_wait3A_314 = tpu.memref_slice %arg4[%add3A_299] : memref<83886080xf32, #tpu.memory_space<hbm>> -> memref<32768xf32, #tpu.memory_space<hbm>>
    %dma_wait3A_315 = tpu.memref_slice %arg4[%add3A_299] : memref<83886080xf32, #tpu.memory_space<hbm>> -> memref<32768xf32, #tpu.memory_space<hbm>>
    tpu.wait_dma2 semaphore(%arg8 : memref<!tpu.dma_semaphore, #tpu.memory_space<semaphore_mem>>) src(%arg5 : memref<32768xf32, #tpu.memory_space<vmem>>) dst(%dma_wait3A_315 : memref<32768xf32, #tpu.memory_space<hbm>>)
    %dma_wait3A_316 = tpu.memref_slice %arg4[%add3A_303] : memref<83886080xf32, #tpu.memory_space<hbm>> -> memref<32768xf32, #tpu.memory_space<hbm>>
    %dma_wait3A_317 = tpu.memref_slice %arg4[%add3A_303] : memref<83886080xf32, #tpu.memory_space<hbm>> -> memref<32768xf32, #tpu.memory_space<hbm>>
    tpu.wait_dma2 semaphore(%arg8 : memref<!tpu.dma_semaphore, #tpu.memory_space<semaphore_mem>>) src(%arg5 : memref<32768xf32, #tpu.memory_space<vmem>>) dst(%dma_wait3A_317 : memref<32768xf32, #tpu.memory_space<hbm>>)
    %dma_wait3A_318 = tpu.memref_slice %arg4[%add3A_307] : memref<83886080xf32, #tpu.memory_space<hbm>> -> memref<32768xf32, #tpu.memory_space<hbm>>
    %dma_wait3A_319 = tpu.memref_slice %arg4[%add3A_307] : memref<83886080xf32, #tpu.memory_space<hbm>> -> memref<32768xf32, #tpu.memory_space<hbm>>
    tpu.wait_dma2 semaphore(%arg8 : memref<!tpu.dma_semaphore, #tpu.memory_space<semaphore_mem>>) src(%arg5 : memref<32768xf32, #tpu.memory_space<vmem>>) dst(%dma_wait3A_319 : memref<32768xf32, #tpu.memory_space<hbm>>)
    %dma_wait3A_320 = tpu.memref_slice %arg4[%add3A_311] : memref<83886080xf32, #tpu.memory_space<hbm>> -> memref<32768xf32, #tpu.memory_space<hbm>>
    %dma_wait3A_321 = tpu.memref_slice %arg4[%add3A_311] : memref<83886080xf32, #tpu.memory_space<hbm>> -> memref<32768xf32, #tpu.memory_space<hbm>>
    tpu.wait_dma2 semaphore(%arg8 : memref<!tpu.dma_semaphore, #tpu.memory_space<semaphore_mem>>) src(%arg5 : memref<32768xf32, #tpu.memory_space<vmem>>) dst(%dma_wait3A_321 : memref<32768xf32, #tpu.memory_space<hbm>>)
    %add3A_322 = arith.constant 1703936 : i32
    %add3A_323 = arith.addi %add3A, %add3A_322 : i32
    %dma_start3A_324 = tpu.memref_slice %arg4[%add3A_323] : memref<83886080xf32, #tpu.memory_space<hbm>> -> memref<32768xf32, #tpu.memory_space<hbm>>
    %dma_start3A_325 = tpu.memref_slice %arg4[%add3A_323] : memref<83886080xf32, #tpu.memory_space<hbm>> -> memref<32768xf32, #tpu.memory_space<hbm>>
    tpu.enqueue_dma source(%arg5 : memref<32768xf32, #tpu.memory_space<vmem>>) target(%dma_start3A_325 : memref<32768xf32, #tpu.memory_space<hbm>>) target_semaphore(%arg8 : memref<!tpu.dma_semaphore, #tpu.memory_space<semaphore_mem>>)
    %add3A_326 = arith.constant 1736704 : i32
    %add3A_327 = arith.addi %add3A, %add3A_326 : i32
    %dma_start3A_328 = tpu.memref_slice %arg4[%add3A_327] : memref<83886080xf32, #tpu.memory_space<hbm>> -> memref<32768xf32, #tpu.memory_space<hbm>>
    %dma_start3A_329 = tpu.memref_slice %arg4[%add3A_327] : memref<83886080xf32, #tpu.memory_space<hbm>> -> memref<32768xf32, #tpu.memory_space<hbm>>
    tpu.enqueue_dma source(%arg5 : memref<32768xf32, #tpu.memory_space<vmem>>) target(%dma_start3A_329 : memref<32768xf32, #tpu.memory_space<hbm>>) target_semaphore(%arg8 : memref<!tpu.dma_semaphore, #tpu.memory_space<semaphore_mem>>)
    %add3A_330 = arith.constant 1769472 : i32
    %add3A_331 = arith.addi %add3A, %add3A_330 : i32
    %dma_start3A_332 = tpu.memref_slice %arg4[%add3A_331] : memref<83886080xf32, #tpu.memory_space<hbm>> -> memref<32768xf32, #tpu.memory_space<hbm>>
    %dma_start3A_333 = tpu.memref_slice %arg4[%add3A_331] : memref<83886080xf32, #tpu.memory_space<hbm>> -> memref<32768xf32, #tpu.memory_space<hbm>>
    tpu.enqueue_dma source(%arg5 : memref<32768xf32, #tpu.memory_space<vmem>>) target(%dma_start3A_333 : memref<32768xf32, #tpu.memory_space<hbm>>) target_semaphore(%arg8 : memref<!tpu.dma_semaphore, #tpu.memory_space<semaphore_mem>>)
    %add3A_334 = arith.constant 1802240 : i32
    %add3A_335 = arith.addi %add3A, %add3A_334 : i32
    %dma_start3A_336 = tpu.memref_slice %arg4[%add3A_335] : memref<83886080xf32, #tpu.memory_space<hbm>> -> memref<32768xf32, #tpu.memory_space<hbm>>
    %dma_start3A_337 = tpu.memref_slice %arg4[%add3A_335] : memref<83886080xf32, #tpu.memory_space<hbm>> -> memref<32768xf32, #tpu.memory_space<hbm>>
    tpu.enqueue_dma source(%arg5 : memref<32768xf32, #tpu.memory_space<vmem>>) target(%dma_start3A_337 : memref<32768xf32, #tpu.memory_space<hbm>>) target_semaphore(%arg8 : memref<!tpu.dma_semaphore, #tpu.memory_space<semaphore_mem>>)
    %dma_wait3A_338 = tpu.memref_slice %arg4[%add3A_323] : memref<83886080xf32, #tpu.memory_space<hbm>> -> memref<32768xf32, #tpu.memory_space<hbm>>
    %dma_wait3A_339 = tpu.memref_slice %arg4[%add3A_323] : memref<83886080xf32, #tpu.memory_space<hbm>> -> memref<32768xf32, #tpu.memory_space<hbm>>
    tpu.wait_dma2 semaphore(%arg8 : memref<!tpu.dma_semaphore, #tpu.memory_space<semaphore_mem>>) src(%arg5 : memref<32768xf32, #tpu.memory_space<vmem>>) dst(%dma_wait3A_339 : memref<32768xf32, #tpu.memory_space<hbm>>)
    %dma_wait3A_340 = tpu.memref_slice %arg4[%add3A_327] : memref<83886080xf32, #tpu.memory_space<hbm>> -> memref<32768xf32, #tpu.memory_space<hbm>>
    %dma_wait3A_341 = tpu.memref_slice %arg4[%add3A_327] : memref<83886080xf32, #tpu.memory_space<hbm>> -> memref<32768xf32, #tpu.memory_space<hbm>>
    tpu.wait_dma2 semaphore(%arg8 : memref<!tpu.dma_semaphore, #tpu.memory_space<semaphore_mem>>) src(%arg5 : memref<32768xf32, #tpu.memory_space<vmem>>) dst(%dma_wait3A_341 : memref<32768xf32, #tpu.memory_space<hbm>>)
    %dma_wait3A_342 = tpu.memref_slice %arg4[%add3A_331] : memref<83886080xf32, #tpu.memory_space<hbm>> -> memref<32768xf32, #tpu.memory_space<hbm>>
    %dma_wait3A_343 = tpu.memref_slice %arg4[%add3A_331] : memref<83886080xf32, #tpu.memory_space<hbm>> -> memref<32768xf32, #tpu.memory_space<hbm>>
    tpu.wait_dma2 semaphore(%arg8 : memref<!tpu.dma_semaphore, #tpu.memory_space<semaphore_mem>>) src(%arg5 : memref<32768xf32, #tpu.memory_space<vmem>>) dst(%dma_wait3A_343 : memref<32768xf32, #tpu.memory_space<hbm>>)
    %dma_wait3A_344 = tpu.memref_slice %arg4[%add3A_335] : memref<83886080xf32, #tpu.memory_space<hbm>> -> memref<32768xf32, #tpu.memory_space<hbm>>
    %dma_wait3A_345 = tpu.memref_slice %arg4[%add3A_335] : memref<83886080xf32, #tpu.memory_space<hbm>> -> memref<32768xf32, #tpu.memory_space<hbm>>
    tpu.wait_dma2 semaphore(%arg8 : memref<!tpu.dma_semaphore, #tpu.memory_space<semaphore_mem>>) src(%arg5 : memref<32768xf32, #tpu.memory_space<vmem>>) dst(%dma_wait3A_345 : memref<32768xf32, #tpu.memory_space<hbm>>)
    %add3A_346 = arith.constant 1835008 : i32
    %add3A_347 = arith.addi %add3A, %add3A_346 : i32
    %dma_start3A_348 = tpu.memref_slice %arg4[%add3A_347] : memref<83886080xf32, #tpu.memory_space<hbm>> -> memref<32768xf32, #tpu.memory_space<hbm>>
    %dma_start3A_349 = tpu.memref_slice %arg4[%add3A_347] : memref<83886080xf32, #tpu.memory_space<hbm>> -> memref<32768xf32, #tpu.memory_space<hbm>>
    tpu.enqueue_dma source(%arg5 : memref<32768xf32, #tpu.memory_space<vmem>>) target(%dma_start3A_349 : memref<32768xf32, #tpu.memory_space<hbm>>) target_semaphore(%arg8 : memref<!tpu.dma_semaphore, #tpu.memory_space<semaphore_mem>>)
    %add3A_350 = arith.constant 1867776 : i32
    %add3A_351 = arith.addi %add3A, %add3A_350 : i32
    %dma_start3A_352 = tpu.memref_slice %arg4[%add3A_351] : memref<83886080xf32, #tpu.memory_space<hbm>> -> memref<32768xf32, #tpu.memory_space<hbm>>
    %dma_start3A_353 = tpu.memref_slice %arg4[%add3A_351] : memref<83886080xf32, #tpu.memory_space<hbm>> -> memref<32768xf32, #tpu.memory_space<hbm>>
    tpu.enqueue_dma source(%arg5 : memref<32768xf32, #tpu.memory_space<vmem>>) target(%dma_start3A_353 : memref<32768xf32, #tpu.memory_space<hbm>>) target_semaphore(%arg8 : memref<!tpu.dma_semaphore, #tpu.memory_space<semaphore_mem>>)
    %add3A_354 = arith.constant 1900544 : i32
    %add3A_355 = arith.addi %add3A, %add3A_354 : i32
    %dma_start3A_356 = tpu.memref_slice %arg4[%add3A_355] : memref<83886080xf32, #tpu.memory_space<hbm>> -> memref<32768xf32, #tpu.memory_space<hbm>>
    %dma_start3A_357 = tpu.memref_slice %arg4[%add3A_355] : memref<83886080xf32, #tpu.memory_space<hbm>> -> memref<32768xf32, #tpu.memory_space<hbm>>
    tpu.enqueue_dma source(%arg5 : memref<32768xf32, #tpu.memory_space<vmem>>) target(%dma_start3A_357 : memref<32768xf32, #tpu.memory_space<hbm>>) target_semaphore(%arg8 : memref<!tpu.dma_semaphore, #tpu.memory_space<semaphore_mem>>)
    %add3A_358 = arith.constant 1933312 : i32
    %add3A_359 = arith.addi %add3A, %add3A_358 : i32
    %dma_start3A_360 = tpu.memref_slice %arg4[%add3A_359] : memref<83886080xf32, #tpu.memory_space<hbm>> -> memref<32768xf32, #tpu.memory_space<hbm>>
    %dma_start3A_361 = tpu.memref_slice %arg4[%add3A_359] : memref<83886080xf32, #tpu.memory_space<hbm>> -> memref<32768xf32, #tpu.memory_space<hbm>>
    tpu.enqueue_dma source(%arg5 : memref<32768xf32, #tpu.memory_space<vmem>>) target(%dma_start3A_361 : memref<32768xf32, #tpu.memory_space<hbm>>) target_semaphore(%arg8 : memref<!tpu.dma_semaphore, #tpu.memory_space<semaphore_mem>>)
    %dma_wait3A_362 = tpu.memref_slice %arg4[%add3A_347] : memref<83886080xf32, #tpu.memory_space<hbm>> -> memref<32768xf32, #tpu.memory_space<hbm>>
    %dma_wait3A_363 = tpu.memref_slice %arg4[%add3A_347] : memref<83886080xf32, #tpu.memory_space<hbm>> -> memref<32768xf32, #tpu.memory_space<hbm>>
    tpu.wait_dma2 semaphore(%arg8 : memref<!tpu.dma_semaphore, #tpu.memory_space<semaphore_mem>>) src(%arg5 : memref<32768xf32, #tpu.memory_space<vmem>>) dst(%dma_wait3A_363 : memref<32768xf32, #tpu.memory_space<hbm>>)
    %dma_wait3A_364 = tpu.memref_slice %arg4[%add3A_351] : memref<83886080xf32, #tpu.memory_space<hbm>> -> memref<32768xf32, #tpu.memory_space<hbm>>
    %dma_wait3A_365 = tpu.memref_slice %arg4[%add3A_351] : memref<83886080xf32, #tpu.memory_space<hbm>> -> memref<32768xf32, #tpu.memory_space<hbm>>
    tpu.wait_dma2 semaphore(%arg8 : memref<!tpu.dma_semaphore, #tpu.memory_space<semaphore_mem>>) src(%arg5 : memref<32768xf32, #tpu.memory_space<vmem>>) dst(%dma_wait3A_365 : memref<32768xf32, #tpu.memory_space<hbm>>)
    %dma_wait3A_366 = tpu.memref_slice %arg4[%add3A_355] : memref<83886080xf32, #tpu.memory_space<hbm>> -> memref<32768xf32, #tpu.memory_space<hbm>>
    %dma_wait3A_367 = tpu.memref_slice %arg4[%add3A_355] : memref<83886080xf32, #tpu.memory_space<hbm>> -> memref<32768xf32, #tpu.memory_space<hbm>>
    tpu.wait_dma2 semaphore(%arg8 : memref<!tpu.dma_semaphore, #tpu.memory_space<semaphore_mem>>) src(%arg5 : memref<32768xf32, #tpu.memory_space<vmem>>) dst(%dma_wait3A_367 : memref<32768xf32, #tpu.memory_space<hbm>>)
    %dma_wait3A_368 = tpu.memref_slice %arg4[%add3A_359] : memref<83886080xf32, #tpu.memory_space<hbm>> -> memref<32768xf32, #tpu.memory_space<hbm>>
    %dma_wait3A_369 = tpu.memref_slice %arg4[%add3A_359] : memref<83886080xf32, #tpu.memory_space<hbm>> -> memref<32768xf32, #tpu.memory_space<hbm>>
    tpu.wait_dma2 semaphore(%arg8 : memref<!tpu.dma_semaphore, #tpu.memory_space<semaphore_mem>>) src(%arg5 : memref<32768xf32, #tpu.memory_space<vmem>>) dst(%dma_wait3A_369 : memref<32768xf32, #tpu.memory_space<hbm>>)
    %add3A_370 = arith.constant 1966080 : i32
    %add3A_371 = arith.addi %add3A, %add3A_370 : i32
    %dma_start3A_372 = tpu.memref_slice %arg4[%add3A_371] : memref<83886080xf32, #tpu.memory_space<hbm>> -> memref<32768xf32, #tpu.memory_space<hbm>>
    %dma_start3A_373 = tpu.memref_slice %arg4[%add3A_371] : memref<83886080xf32, #tpu.memory_space<hbm>> -> memref<32768xf32, #tpu.memory_space<hbm>>
    tpu.enqueue_dma source(%arg5 : memref<32768xf32, #tpu.memory_space<vmem>>) target(%dma_start3A_373 : memref<32768xf32, #tpu.memory_space<hbm>>) target_semaphore(%arg8 : memref<!tpu.dma_semaphore, #tpu.memory_space<semaphore_mem>>)
    %add3A_374 = arith.constant 1998848 : i32
    %add3A_375 = arith.addi %add3A, %add3A_374 : i32
    %dma_start3A_376 = tpu.memref_slice %arg4[%add3A_375] : memref<83886080xf32, #tpu.memory_space<hbm>> -> memref<32768xf32, #tpu.memory_space<hbm>>
    %dma_start3A_377 = tpu.memref_slice %arg4[%add3A_375] : memref<83886080xf32, #tpu.memory_space<hbm>> -> memref<32768xf32, #tpu.memory_space<hbm>>
    tpu.enqueue_dma source(%arg5 : memref<32768xf32, #tpu.memory_space<vmem>>) target(%dma_start3A_377 : memref<32768xf32, #tpu.memory_space<hbm>>) target_semaphore(%arg8 : memref<!tpu.dma_semaphore, #tpu.memory_space<semaphore_mem>>)
    %add3A_378 = arith.constant 2031616 : i32
    %add3A_379 = arith.addi %add3A, %add3A_378 : i32
    %dma_start3A_380 = tpu.memref_slice %arg4[%add3A_379] : memref<83886080xf32, #tpu.memory_space<hbm>> -> memref<32768xf32, #tpu.memory_space<hbm>>
    %dma_start3A_381 = tpu.memref_slice %arg4[%add3A_379] : memref<83886080xf32, #tpu.memory_space<hbm>> -> memref<32768xf32, #tpu.memory_space<hbm>>
    tpu.enqueue_dma source(%arg5 : memref<32768xf32, #tpu.memory_space<vmem>>) target(%dma_start3A_381 : memref<32768xf32, #tpu.memory_space<hbm>>) target_semaphore(%arg8 : memref<!tpu.dma_semaphore, #tpu.memory_space<semaphore_mem>>)
    %add3A_382 = arith.constant 2064384 : i32
    %add3A_383 = arith.addi %add3A, %add3A_382 : i32
    %dma_start3A_384 = tpu.memref_slice %arg4[%add3A_383] : memref<83886080xf32, #tpu.memory_space<hbm>> -> memref<32768xf32, #tpu.memory_space<hbm>>
    %dma_start3A_385 = tpu.memref_slice %arg4[%add3A_383] : memref<83886080xf32, #tpu.memory_space<hbm>> -> memref<32768xf32, #tpu.memory_space<hbm>>
    tpu.enqueue_dma source(%arg5 : memref<32768xf32, #tpu.memory_space<vmem>>) target(%dma_start3A_385 : memref<32768xf32, #tpu.memory_space<hbm>>) target_semaphore(%arg8 : memref<!tpu.dma_semaphore, #tpu.memory_space<semaphore_mem>>)
    %dma_wait3A_386 = tpu.memref_slice %arg4[%add3A_371] : memref<83886080xf32, #tpu.memory_space<hbm>> -> memref<32768xf32, #tpu.memory_space<hbm>>
    %dma_wait3A_387 = tpu.memref_slice %arg4[%add3A_371] : memref<83886080xf32, #tpu.memory_space<hbm>> -> memref<32768xf32, #tpu.memory_space<hbm>>
    tpu.wait_dma2 semaphore(%arg8 : memref<!tpu.dma_semaphore, #tpu.memory_space<semaphore_mem>>) src(%arg5 : memref<32768xf32, #tpu.memory_space<vmem>>) dst(%dma_wait3A_387 : memref<32768xf32, #tpu.memory_space<hbm>>)
    %dma_wait3A_388 = tpu.memref_slice %arg4[%add3A_375] : memref<83886080xf32, #tpu.memory_space<hbm>> -> memref<32768xf32, #tpu.memory_space<hbm>>
    %dma_wait3A_389 = tpu.memref_slice %arg4[%add3A_375] : memref<83886080xf32, #tpu.memory_space<hbm>> -> memref<32768xf32, #tpu.memory_space<hbm>>
    tpu.wait_dma2 semaphore(%arg8 : memref<!tpu.dma_semaphore, #tpu.memory_space<semaphore_mem>>) src(%arg5 : memref<32768xf32, #tpu.memory_space<vmem>>) dst(%dma_wait3A_389 : memref<32768xf32, #tpu.memory_space<hbm>>)
    %dma_wait3A_390 = tpu.memref_slice %arg4[%add3A_379] : memref<83886080xf32, #tpu.memory_space<hbm>> -> memref<32768xf32, #tpu.memory_space<hbm>>
    %dma_wait3A_391 = tpu.memref_slice %arg4[%add3A_379] : memref<83886080xf32, #tpu.memory_space<hbm>> -> memref<32768xf32, #tpu.memory_space<hbm>>
    tpu.wait_dma2 semaphore(%arg8 : memref<!tpu.dma_semaphore, #tpu.memory_space<semaphore_mem>>) src(%arg5 : memref<32768xf32, #tpu.memory_space<vmem>>) dst(%dma_wait3A_391 : memref<32768xf32, #tpu.memory_space<hbm>>)
    %dma_wait3A_392 = tpu.memref_slice %arg4[%add3A_383] : memref<83886080xf32, #tpu.memory_space<hbm>> -> memref<32768xf32, #tpu.memory_space<hbm>>
    %dma_wait3A_393 = tpu.memref_slice %arg4[%add3A_383] : memref<83886080xf32, #tpu.memory_space<hbm>> -> memref<32768xf32, #tpu.memory_space<hbm>>
    tpu.wait_dma2 semaphore(%arg8 : memref<!tpu.dma_semaphore, #tpu.memory_space<semaphore_mem>>) src(%arg5 : memref<32768xf32, #tpu.memory_space<vmem>>) dst(%dma_wait3A_393 : memref<32768xf32, #tpu.memory_space<hbm>>)
    %barrier3A = arith.constant 0 : index
    tpu.barrier barrier_id(%barrier3A)
    %mul3A_394 = arith.constant 33554432 : i32
    %mul3A_395 = arith.muli %arg0, %mul3A_394 : i32
    %add3A_396 = arith.constant 33554432 : i32
    %add3A_397 = arith.addi %mul3A_395, %add3A_396 : i32
    %mul3A_398 = arith.constant 65536 : i32
    %mul3A_399 = arith.muli %arg1, %mul3A_398 : i32
    %add3A_400 = arith.constant 0 : i32
    %add3A_401 = arith.addi %mul3A_399, %add3A_400 : i32
    "tpu.region"() ({
      %run_scoped3A = tpu.sem_alloc : memref<!tpu.dma_semaphore, #tpu.memory_space<semaphore_mem>>
      %dma_start3A_518 = tpu.memref_slice %arg2[%add3A_401] : memref<1048576xi32, #tpu.memory_space<hbm>> -> memref<8192xi32, #tpu.memory_space<hbm>>
      %dma_start3A_519 = tpu.memref_slice %arg2[%add3A_401] : memref<1048576xi32, #tpu.memory_space<hbm>> -> memref<8192xi32, #tpu.memory_space<hbm>>
      tpu.enqueue_dma source(%dma_start3A_519 : memref<8192xi32, #tpu.memory_space<hbm>>) target(%arg6 : memref<8192xi32, #tpu.memory_space<vmem>>) target_semaphore(%run_scoped3A : memref<!tpu.dma_semaphore, #tpu.memory_space<semaphore_mem>>)
      %dma_wait3A_520 = tpu.memref_slice %arg2[%add3A_401] : memref<1048576xi32, #tpu.memory_space<hbm>> -> memref<8192xi32, #tpu.memory_space<hbm>>
      %dma_wait3A_521 = tpu.memref_slice %arg2[%add3A_401] : memref<1048576xi32, #tpu.memory_space<hbm>> -> memref<8192xi32, #tpu.memory_space<hbm>>
      tpu.wait_dma2 semaphore(%run_scoped3A : memref<!tpu.dma_semaphore, #tpu.memory_space<semaphore_mem>>) src(%dma_wait3A_521 : memref<8192xi32, #tpu.memory_space<hbm>>) dst(%arg6 : memref<8192xi32, #tpu.memory_space<vmem>>)
      tpu.yield
    }) : () -> ()
    "tpu.region"() ({
      %run_scoped3A = tpu.sem_alloc : memref<!tpu.dma_semaphore, #tpu.memory_space<semaphore_mem>>
      %dma_start3A_518 = tpu.memref_slice %arg3[%add3A_401] : memref<1048576xf32, #tpu.memory_space<hbm>> -> memref<8192xf32, #tpu.memory_space<hbm>>
      %dma_start3A_519 = tpu.memref_slice %arg3[%add3A_401] : memref<1048576xf32, #tpu.memory_space<hbm>> -> memref<8192xf32, #tpu.memory_space<hbm>>
      tpu.enqueue_dma source(%dma_start3A_519 : memref<8192xf32, #tpu.memory_space<hbm>>) target(%arg7 : memref<8192xf32, #tpu.memory_space<vmem>>) target_semaphore(%run_scoped3A : memref<!tpu.dma_semaphore, #tpu.memory_space<semaphore_mem>>)
      %dma_wait3A_520 = tpu.memref_slice %arg3[%add3A_401] : memref<1048576xf32, #tpu.memory_space<hbm>> -> memref<8192xf32, #tpu.memory_space<hbm>>
      %dma_wait3A_521 = tpu.memref_slice %arg3[%add3A_401] : memref<1048576xf32, #tpu.memory_space<hbm>> -> memref<8192xf32, #tpu.memory_space<hbm>>
      tpu.wait_dma2 semaphore(%run_scoped3A : memref<!tpu.dma_semaphore, #tpu.memory_space<semaphore_mem>>) src(%dma_wait3A_521 : memref<8192xf32, #tpu.memory_space<hbm>>) dst(%arg7 : memref<8192xf32, #tpu.memory_space<vmem>>)
      tpu.yield
    }) : () -> ()
    %scan3A_402 = arith.constant 0 : i32
    %scan3A_403 = arith.constant 0 : i32
    %scan3A_404 = arith.constant 512 : i32
    %scan3A_405 = arith.addi %scan3A_403, %scan3A_404 : i32
    %scan3A_406 = arith.constant 1 : i32
    %scan3A_407 = scf.for %scan3A_518 = %scan3A_403 to %scan3A_405 step %scan3A_406 iter_args(%scan3A_519 = %scan3A_402) -> (i32)  : i32 {
      %mul3A_520 = arith.constant 16 : i32
      %mul3A_521 = arith.muli %scan3A_518, %mul3A_520 : i32
      %get3A = arith.index_cast %mul3A_521 : i32 to index
      %get3A_522 = tpu.vector_load %arg6[%get3A] {strides = array<i32>} : memref<8192xi32, #tpu.memory_space<vmem>>, vector<16xi32>,
      %get3A_523 = vector.shape_cast %get3A_522 : vector<16xi32> to vector<16xi32>
      %ge3A = vector.broadcast %mul3A_395 : i32 to vector<16xi32>
      %ge3A_524 = arith.cmpi sge, %get3A_523, %ge3A : vector<16xi32>
      %lt3A = vector.broadcast %add3A_397 : i32 to vector<16xi32>
      %lt3A_525 = arith.cmpi slt, %get3A_523, %lt3A : vector<16xi32>
      %and3A = arith.andi %ge3A_524, %lt3A_525 : vector<16xi1>
      %mul3A_526 = arith.constant 16 : i32
      %mul3A_527 = arith.muli %scan3A_518, %mul3A_526 : i32
      %add3A_528 = arith.addi %add3A_401, %mul3A_527 : i32
      %mul3A_529 = arith.constant 16 : i32
      %mul3A_530 = arith.muli %add3A_528, %mul3A_529 : i32
      %add3A_531 = arith.constant 67108864 : i32
      %add3A_532 = arith.addi %add3A_531, %mul3A_530 : i32
      %add3A_533 = vector.broadcast %add3A_532 : i32 to vector<16xi32>
      %add3A_534 = arith.addi %add3A_533, %mul3A_1 : vector<16xi32>
      %select_n3A = arith.select %and3A, %get3A_523, %add3A_534 : vector<16xi1>, vector<16xi32>
      %mul3A_535 = arith.constant 16 : i32
      %mul3A_536 = arith.muli %scan3A_518, %mul3A_535 : i32
      %swap3A = arith.index_cast %mul3A_536 : i32 to index
      %swap3A_537 = tpu.vector_load %arg6[%swap3A] {strides = array<i32>} : memref<8192xi32, #tpu.memory_space<vmem>>, vector<16xi32>,
      %swap3A_538 = vector.shape_cast %swap3A_537 : vector<16xi32> to vector<16xi32>
      %swap3A_539 = vector.shape_cast %select_n3A : vector<16xi32> to vector<16xi32>
      tpu.vector_store %arg6[%swap3A], %swap3A_539 {strides = array<i32>} : memref<8192xi32, #tpu.memory_space<vmem>>, vector<16xi32>,
      %scan3A_540 = arith.constant 0 : i32
      scf.yield %scan3A_540 : i32
    }
    %scan3A_408 = arith.constant 512 : i32
    %dma_start3A_409 = arith.constant 0 : i32
    %dma_start3A_410 = tpu.memref_slice %arg4[%dma_start3A_409] : memref<83886080xf32, #tpu.memory_space<hbm>> -> memref<83886080xf32, #tpu.memory_space<hbm>>
    tpu.enqueue_indirect_dma source(%arg7 : memref<8192xf32, #tpu.memory_space<vmem>>) target(%dma_start3A_410 : memref<83886080xf32, #tpu.memory_space<hbm>>) offsets(%arg6 : memref<8192xi32, #tpu.memory_space<vmem>>) semaphore(%arg9 : memref<!tpu.dma_semaphore, #tpu.memory_space<semaphore_mem>>)
    %dma_wait3A_411 = arith.constant 0 : i32
    %dma_wait3A_412 = tpu.memref_slice %arg4[%dma_wait3A_411] : memref<83886080xf32, #tpu.memory_space<hbm>> -> memref<83886080xf32, #tpu.memory_space<hbm>>
    tpu.wait_indirect_dma semaphore(%arg9 : memref<!tpu.dma_semaphore, #tpu.memory_space<semaphore_mem>>) src(%arg7 : memref<8192xf32, #tpu.memory_space<vmem>>) dst(%dma_wait3A_412 : memref<83886080xf32, #tpu.memory_space<hbm>>)
    %mul3A_413 = arith.constant 65536 : i32
    %mul3A_414 = arith.muli %arg1, %mul3A_413 : i32
    %add3A_415 = arith.constant 8192 : i32
    %add3A_416 = arith.addi %mul3A_414, %add3A_415 : i32
    "tpu.region"() ({
      %run_scoped3A = tpu.sem_alloc : memref<!tpu.dma_semaphore, #tpu.memory_space<semaphore_mem>>
      %dma_start3A_518 = tpu.memref_slice %arg2[%add3A_416] : memref<1048576xi32, #tpu.memory_space<hbm>> -> memref<8192xi32, #tpu.memory_space<hbm>>
      %dma_start3A_519 = tpu.memref_slice %arg2[%add3A_416] : memref<1048576xi32, #tpu.memory_space<hbm>> -> memref<8192xi32, #tpu.memory_space<hbm>>
      tpu.enqueue_dma source(%dma_start3A_519 : memref<8192xi32, #tpu.memory_space<hbm>>) target(%arg6 : memref<8192xi32, #tpu.memory_space<vmem>>) target_semaphore(%run_scoped3A : memref<!tpu.dma_semaphore, #tpu.memory_space<semaphore_mem>>)
      %dma_wait3A_520 = tpu.memref_slice %arg2[%add3A_416] : memref<1048576xi32, #tpu.memory_space<hbm>> -> memref<8192xi32, #tpu.memory_space<hbm>>
      %dma_wait3A_521 = tpu.memref_slice %arg2[%add3A_416] : memref<1048576xi32, #tpu.memory_space<hbm>> -> memref<8192xi32, #tpu.memory_space<hbm>>
      tpu.wait_dma2 semaphore(%run_scoped3A : memref<!tpu.dma_semaphore, #tpu.memory_space<semaphore_mem>>) src(%dma_wait3A_521 : memref<8192xi32, #tpu.memory_space<hbm>>) dst(%arg6 : memref<8192xi32, #tpu.memory_space<vmem>>)
      tpu.yield
    }) : () -> ()
    "tpu.region"() ({
      %run_scoped3A = tpu.sem_alloc : memref<!tpu.dma_semaphore, #tpu.memory_space<semaphore_mem>>
      %dma_start3A_518 = tpu.memref_slice %arg3[%add3A_416] : memref<1048576xf32, #tpu.memory_space<hbm>> -> memref<8192xf32, #tpu.memory_space<hbm>>
      %dma_start3A_519 = tpu.memref_slice %arg3[%add3A_416] : memref<1048576xf32, #tpu.memory_space<hbm>> -> memref<8192xf32, #tpu.memory_space<hbm>>
      tpu.enqueue_dma source(%dma_start3A_519 : memref<8192xf32, #tpu.memory_space<hbm>>) target(%arg7 : memref<8192xf32, #tpu.memory_space<vmem>>) target_semaphore(%run_scoped3A : memref<!tpu.dma_semaphore, #tpu.memory_space<semaphore_mem>>)
      %dma_wait3A_520 = tpu.memref_slice %arg3[%add3A_416] : memref<1048576xf32, #tpu.memory_space<hbm>> -> memref<8192xf32, #tpu.memory_space<hbm>>
      %dma_wait3A_521 = tpu.memref_slice %arg3[%add3A_416] : memref<1048576xf32, #tpu.memory_space<hbm>> -> memref<8192xf32, #tpu.memory_space<hbm>>
      tpu.wait_dma2 semaphore(%run_scoped3A : memref<!tpu.dma_semaphore, #tpu.memory_space<semaphore_mem>>) src(%dma_wait3A_521 : memref<8192xf32, #tpu.memory_space<hbm>>) dst(%arg7 : memref<8192xf32, #tpu.memory_space<vmem>>)
      tpu.yield
    }) : () -> ()
    %scan3A_417 = arith.constant 0 : i32
    %scan3A_418 = arith.constant 0 : i32
    %scan3A_419 = arith.constant 512 : i32
    %scan3A_420 = arith.addi %scan3A_418, %scan3A_419 : i32
    %scan3A_421 = arith.constant 1 : i32
    %scan3A_422 = scf.for %scan3A_518 = %scan3A_418 to %scan3A_420 step %scan3A_421 iter_args(%scan3A_519 = %scan3A_417) -> (i32)  : i32 {
      %mul3A_520 = arith.constant 16 : i32
      %mul3A_521 = arith.muli %scan3A_518, %mul3A_520 : i32
      %get3A = arith.index_cast %mul3A_521 : i32 to index
      %get3A_522 = tpu.vector_load %arg6[%get3A] {strides = array<i32>} : memref<8192xi32, #tpu.memory_space<vmem>>, vector<16xi32>,
      %get3A_523 = vector.shape_cast %get3A_522 : vector<16xi32> to vector<16xi32>
      %ge3A = vector.broadcast %mul3A_395 : i32 to vector<16xi32>
      %ge3A_524 = arith.cmpi sge, %get3A_523, %ge3A : vector<16xi32>
      %lt3A = vector.broadcast %add3A_397 : i32 to vector<16xi32>
      %lt3A_525 = arith.cmpi slt, %get3A_523, %lt3A : vector<16xi32>
      %and3A = arith.andi %ge3A_524, %lt3A_525 : vector<16xi1>
      %mul3A_526 = arith.constant 16 : i32
      %mul3A_527 = arith.muli %scan3A_518, %mul3A_526 : i32
      %add3A_528 = arith.addi %add3A_416, %mul3A_527 : i32
      %mul3A_529 = arith.constant 16 : i32
      %mul3A_530 = arith.muli %add3A_528, %mul3A_529 : i32
      %add3A_531 = arith.constant 67108864 : i32
      %add3A_532 = arith.addi %add3A_531, %mul3A_530 : i32
      %add3A_533 = vector.broadcast %add3A_532 : i32 to vector<16xi32>
      %add3A_534 = arith.addi %add3A_533, %mul3A_1 : vector<16xi32>
      %select_n3A = arith.select %and3A, %get3A_523, %add3A_534 : vector<16xi1>, vector<16xi32>
      %mul3A_535 = arith.constant 16 : i32
      %mul3A_536 = arith.muli %scan3A_518, %mul3A_535 : i32
      %swap3A = arith.index_cast %mul3A_536 : i32 to index
      %swap3A_537 = tpu.vector_load %arg6[%swap3A] {strides = array<i32>} : memref<8192xi32, #tpu.memory_space<vmem>>, vector<16xi32>,
      %swap3A_538 = vector.shape_cast %swap3A_537 : vector<16xi32> to vector<16xi32>
      %swap3A_539 = vector.shape_cast %select_n3A : vector<16xi32> to vector<16xi32>
      tpu.vector_store %arg6[%swap3A], %swap3A_539 {strides = array<i32>} : memref<8192xi32, #tpu.memory_space<vmem>>, vector<16xi32>,
      %scan3A_540 = arith.constant 0 : i32
      scf.yield %scan3A_540 : i32
    }
    %scan3A_423 = arith.constant 512 : i32
    %dma_start3A_424 = arith.constant 0 : i32
    %dma_start3A_425 = tpu.memref_slice %arg4[%dma_start3A_424] : memref<83886080xf32, #tpu.memory_space<hbm>> -> memref<83886080xf32, #tpu.memory_space<hbm>>
    tpu.enqueue_indirect_dma source(%arg7 : memref<8192xf32, #tpu.memory_space<vmem>>) target(%dma_start3A_425 : memref<83886080xf32, #tpu.memory_space<hbm>>) offsets(%arg6 : memref<8192xi32, #tpu.memory_space<vmem>>) semaphore(%arg9 : memref<!tpu.dma_semaphore, #tpu.memory_space<semaphore_mem>>)
    %dma_wait3A_426 = arith.constant 0 : i32
    %dma_wait3A_427 = tpu.memref_slice %arg4[%dma_wait3A_426] : memref<83886080xf32, #tpu.memory_space<hbm>> -> memref<83886080xf32, #tpu.memory_space<hbm>>
    tpu.wait_indirect_dma semaphore(%arg9 : memref<!tpu.dma_semaphore, #tpu.memory_space<semaphore_mem>>) src(%arg7 : memref<8192xf32, #tpu.memory_space<vmem>>) dst(%dma_wait3A_427 : memref<83886080xf32, #tpu.memory_space<hbm>>)
    %mul3A_428 = arith.constant 65536 : i32
    %mul3A_429 = arith.muli %arg1, %mul3A_428 : i32
    %add3A_430 = arith.constant 16384 : i32
    %add3A_431 = arith.addi %mul3A_429, %add3A_430 : i32
    "tpu.region"() ({
      %run_scoped3A = tpu.sem_alloc : memref<!tpu.dma_semaphore, #tpu.memory_space<semaphore_mem>>
      %dma_start3A_518 = tpu.memref_slice %arg2[%add3A_431] : memref<1048576xi32, #tpu.memory_space<hbm>> -> memref<8192xi32, #tpu.memory_space<hbm>>
      %dma_start3A_519 = tpu.memref_slice %arg2[%add3A_431] : memref<1048576xi32, #tpu.memory_space<hbm>> -> memref<8192xi32, #tpu.memory_space<hbm>>
      tpu.enqueue_dma source(%dma_start3A_519 : memref<8192xi32, #tpu.memory_space<hbm>>) target(%arg6 : memref<8192xi32, #tpu.memory_space<vmem>>) target_semaphore(%run_scoped3A : memref<!tpu.dma_semaphore, #tpu.memory_space<semaphore_mem>>)
      %dma_wait3A_520 = tpu.memref_slice %arg2[%add3A_431] : memref<1048576xi32, #tpu.memory_space<hbm>> -> memref<8192xi32, #tpu.memory_space<hbm>>
      %dma_wait3A_521 = tpu.memref_slice %arg2[%add3A_431] : memref<1048576xi32, #tpu.memory_space<hbm>> -> memref<8192xi32, #tpu.memory_space<hbm>>
      tpu.wait_dma2 semaphore(%run_scoped3A : memref<!tpu.dma_semaphore, #tpu.memory_space<semaphore_mem>>) src(%dma_wait3A_521 : memref<8192xi32, #tpu.memory_space<hbm>>) dst(%arg6 : memref<8192xi32, #tpu.memory_space<vmem>>)
      tpu.yield
    }) : () -> ()
    "tpu.region"() ({
      %run_scoped3A = tpu.sem_alloc : memref<!tpu.dma_semaphore, #tpu.memory_space<semaphore_mem>>
      %dma_start3A_518 = tpu.memref_slice %arg3[%add3A_431] : memref<1048576xf32, #tpu.memory_space<hbm>> -> memref<8192xf32, #tpu.memory_space<hbm>>
      %dma_start3A_519 = tpu.memref_slice %arg3[%add3A_431] : memref<1048576xf32, #tpu.memory_space<hbm>> -> memref<8192xf32, #tpu.memory_space<hbm>>
      tpu.enqueue_dma source(%dma_start3A_519 : memref<8192xf32, #tpu.memory_space<hbm>>) target(%arg7 : memref<8192xf32, #tpu.memory_space<vmem>>) target_semaphore(%run_scoped3A : memref<!tpu.dma_semaphore, #tpu.memory_space<semaphore_mem>>)
      %dma_wait3A_520 = tpu.memref_slice %arg3[%add3A_431] : memref<1048576xf32, #tpu.memory_space<hbm>> -> memref<8192xf32, #tpu.memory_space<hbm>>
      %dma_wait3A_521 = tpu.memref_slice %arg3[%add3A_431] : memref<1048576xf32, #tpu.memory_space<hbm>> -> memref<8192xf32, #tpu.memory_space<hbm>>
      tpu.wait_dma2 semaphore(%run_scoped3A : memref<!tpu.dma_semaphore, #tpu.memory_space<semaphore_mem>>) src(%dma_wait3A_521 : memref<8192xf32, #tpu.memory_space<hbm>>) dst(%arg7 : memref<8192xf32, #tpu.memory_space<vmem>>)
      tpu.yield
    }) : () -> ()
    %scan3A_432 = arith.constant 0 : i32
    %scan3A_433 = arith.constant 0 : i32
    %scan3A_434 = arith.constant 512 : i32
    %scan3A_435 = arith.addi %scan3A_433, %scan3A_434 : i32
    %scan3A_436 = arith.constant 1 : i32
    %scan3A_437 = scf.for %scan3A_518 = %scan3A_433 to %scan3A_435 step %scan3A_436 iter_args(%scan3A_519 = %scan3A_432) -> (i32)  : i32 {
      %mul3A_520 = arith.constant 16 : i32
      %mul3A_521 = arith.muli %scan3A_518, %mul3A_520 : i32
      %get3A = arith.index_cast %mul3A_521 : i32 to index
      %get3A_522 = tpu.vector_load %arg6[%get3A] {strides = array<i32>} : memref<8192xi32, #tpu.memory_space<vmem>>, vector<16xi32>,
      %get3A_523 = vector.shape_cast %get3A_522 : vector<16xi32> to vector<16xi32>
      %ge3A = vector.broadcast %mul3A_395 : i32 to vector<16xi32>
      %ge3A_524 = arith.cmpi sge, %get3A_523, %ge3A : vector<16xi32>
      %lt3A = vector.broadcast %add3A_397 : i32 to vector<16xi32>
      %lt3A_525 = arith.cmpi slt, %get3A_523, %lt3A : vector<16xi32>
      %and3A = arith.andi %ge3A_524, %lt3A_525 : vector<16xi1>
      %mul3A_526 = arith.constant 16 : i32
      %mul3A_527 = arith.muli %scan3A_518, %mul3A_526 : i32
      %add3A_528 = arith.addi %add3A_431, %mul3A_527 : i32
      %mul3A_529 = arith.constant 16 : i32
      %mul3A_530 = arith.muli %add3A_528, %mul3A_529 : i32
      %add3A_531 = arith.constant 67108864 : i32
      %add3A_532 = arith.addi %add3A_531, %mul3A_530 : i32
      %add3A_533 = vector.broadcast %add3A_532 : i32 to vector<16xi32>
      %add3A_534 = arith.addi %add3A_533, %mul3A_1 : vector<16xi32>
      %select_n3A = arith.select %and3A, %get3A_523, %add3A_534 : vector<16xi1>, vector<16xi32>
      %mul3A_535 = arith.constant 16 : i32
      %mul3A_536 = arith.muli %scan3A_518, %mul3A_535 : i32
      %swap3A = arith.index_cast %mul3A_536 : i32 to index
      %swap3A_537 = tpu.vector_load %arg6[%swap3A] {strides = array<i32>} : memref<8192xi32, #tpu.memory_space<vmem>>, vector<16xi32>,
      %swap3A_538 = vector.shape_cast %swap3A_537 : vector<16xi32> to vector<16xi32>
      %swap3A_539 = vector.shape_cast %select_n3A : vector<16xi32> to vector<16xi32>
      tpu.vector_store %arg6[%swap3A], %swap3A_539 {strides = array<i32>} : memref<8192xi32, #tpu.memory_space<vmem>>, vector<16xi32>,
      %scan3A_540 = arith.constant 0 : i32
      scf.yield %scan3A_540 : i32
    }
    %scan3A_438 = arith.constant 512 : i32
    %dma_start3A_439 = arith.constant 0 : i32
    %dma_start3A_440 = tpu.memref_slice %arg4[%dma_start3A_439] : memref<83886080xf32, #tpu.memory_space<hbm>> -> memref<83886080xf32, #tpu.memory_space<hbm>>
    tpu.enqueue_indirect_dma source(%arg7 : memref<8192xf32, #tpu.memory_space<vmem>>) target(%dma_start3A_440 : memref<83886080xf32, #tpu.memory_space<hbm>>) offsets(%arg6 : memref<8192xi32, #tpu.memory_space<vmem>>) semaphore(%arg9 : memref<!tpu.dma_semaphore, #tpu.memory_space<semaphore_mem>>)
    %dma_wait3A_441 = arith.constant 0 : i32
    %dma_wait3A_442 = tpu.memref_slice %arg4[%dma_wait3A_441] : memref<83886080xf32, #tpu.memory_space<hbm>> -> memref<83886080xf32, #tpu.memory_space<hbm>>
    tpu.wait_indirect_dma semaphore(%arg9 : memref<!tpu.dma_semaphore, #tpu.memory_space<semaphore_mem>>) src(%arg7 : memref<8192xf32, #tpu.memory_space<vmem>>) dst(%dma_wait3A_442 : memref<83886080xf32, #tpu.memory_space<hbm>>)
    %mul3A_443 = arith.constant 65536 : i32
    %mul3A_444 = arith.muli %arg1, %mul3A_443 : i32
    %add3A_445 = arith.constant 24576 : i32
    %add3A_446 = arith.addi %mul3A_444, %add3A_445 : i32
    "tpu.region"() ({
      %run_scoped3A = tpu.sem_alloc : memref<!tpu.dma_semaphore, #tpu.memory_space<semaphore_mem>>
      %dma_start3A_518 = tpu.memref_slice %arg2[%add3A_446] : memref<1048576xi32, #tpu.memory_space<hbm>> -> memref<8192xi32, #tpu.memory_space<hbm>>
      %dma_start3A_519 = tpu.memref_slice %arg2[%add3A_446] : memref<1048576xi32, #tpu.memory_space<hbm>> -> memref<8192xi32, #tpu.memory_space<hbm>>
      tpu.enqueue_dma source(%dma_start3A_519 : memref<8192xi32, #tpu.memory_space<hbm>>) target(%arg6 : memref<8192xi32, #tpu.memory_space<vmem>>) target_semaphore(%run_scoped3A : memref<!tpu.dma_semaphore, #tpu.memory_space<semaphore_mem>>)
      %dma_wait3A_520 = tpu.memref_slice %arg2[%add3A_446] : memref<1048576xi32, #tpu.memory_space<hbm>> -> memref<8192xi32, #tpu.memory_space<hbm>>
      %dma_wait3A_521 = tpu.memref_slice %arg2[%add3A_446] : memref<1048576xi32, #tpu.memory_space<hbm>> -> memref<8192xi32, #tpu.memory_space<hbm>>
      tpu.wait_dma2 semaphore(%run_scoped3A : memref<!tpu.dma_semaphore, #tpu.memory_space<semaphore_mem>>) src(%dma_wait3A_521 : memref<8192xi32, #tpu.memory_space<hbm>>) dst(%arg6 : memref<8192xi32, #tpu.memory_space<vmem>>)
      tpu.yield
    }) : () -> ()
    "tpu.region"() ({
      %run_scoped3A = tpu.sem_alloc : memref<!tpu.dma_semaphore, #tpu.memory_space<semaphore_mem>>
      %dma_start3A_518 = tpu.memref_slice %arg3[%add3A_446] : memref<1048576xf32, #tpu.memory_space<hbm>> -> memref<8192xf32, #tpu.memory_space<hbm>>
      %dma_start3A_519 = tpu.memref_slice %arg3[%add3A_446] : memref<1048576xf32, #tpu.memory_space<hbm>> -> memref<8192xf32, #tpu.memory_space<hbm>>
      tpu.enqueue_dma source(%dma_start3A_519 : memref<8192xf32, #tpu.memory_space<hbm>>) target(%arg7 : memref<8192xf32, #tpu.memory_space<vmem>>) target_semaphore(%run_scoped3A : memref<!tpu.dma_semaphore, #tpu.memory_space<semaphore_mem>>)
      %dma_wait3A_520 = tpu.memref_slice %arg3[%add3A_446] : memref<1048576xf32, #tpu.memory_space<hbm>> -> memref<8192xf32, #tpu.memory_space<hbm>>
      %dma_wait3A_521 = tpu.memref_slice %arg3[%add3A_446] : memref<1048576xf32, #tpu.memory_space<hbm>> -> memref<8192xf32, #tpu.memory_space<hbm>>
      tpu.wait_dma2 semaphore(%run_scoped3A : memref<!tpu.dma_semaphore, #tpu.memory_space<semaphore_mem>>) src(%dma_wait3A_521 : memref<8192xf32, #tpu.memory_space<hbm>>) dst(%arg7 : memref<8192xf32, #tpu.memory_space<vmem>>)
      tpu.yield
    }) : () -> ()
    %scan3A_447 = arith.constant 0 : i32
    %scan3A_448 = arith.constant 0 : i32
    %scan3A_449 = arith.constant 512 : i32
    %scan3A_450 = arith.addi %scan3A_448, %scan3A_449 : i32
    %scan3A_451 = arith.constant 1 : i32
    %scan3A_452 = scf.for %scan3A_518 = %scan3A_448 to %scan3A_450 step %scan3A_451 iter_args(%scan3A_519 = %scan3A_447) -> (i32)  : i32 {
      %mul3A_520 = arith.constant 16 : i32
      %mul3A_521 = arith.muli %scan3A_518, %mul3A_520 : i32
      %get3A = arith.index_cast %mul3A_521 : i32 to index
      %get3A_522 = tpu.vector_load %arg6[%get3A] {strides = array<i32>} : memref<8192xi32, #tpu.memory_space<vmem>>, vector<16xi32>,
      %get3A_523 = vector.shape_cast %get3A_522 : vector<16xi32> to vector<16xi32>
      %ge3A = vector.broadcast %mul3A_395 : i32 to vector<16xi32>
      %ge3A_524 = arith.cmpi sge, %get3A_523, %ge3A : vector<16xi32>
      %lt3A = vector.broadcast %add3A_397 : i32 to vector<16xi32>
      %lt3A_525 = arith.cmpi slt, %get3A_523, %lt3A : vector<16xi32>
      %and3A = arith.andi %ge3A_524, %lt3A_525 : vector<16xi1>
      %mul3A_526 = arith.constant 16 : i32
      %mul3A_527 = arith.muli %scan3A_518, %mul3A_526 : i32
      %add3A_528 = arith.addi %add3A_446, %mul3A_527 : i32
      %mul3A_529 = arith.constant 16 : i32
      %mul3A_530 = arith.muli %add3A_528, %mul3A_529 : i32
      %add3A_531 = arith.constant 67108864 : i32
      %add3A_532 = arith.addi %add3A_531, %mul3A_530 : i32
      %add3A_533 = vector.broadcast %add3A_532 : i32 to vector<16xi32>
      %add3A_534 = arith.addi %add3A_533, %mul3A_1 : vector<16xi32>
      %select_n3A = arith.select %and3A, %get3A_523, %add3A_534 : vector<16xi1>, vector<16xi32>
      %mul3A_535 = arith.constant 16 : i32
      %mul3A_536 = arith.muli %scan3A_518, %mul3A_535 : i32
      %swap3A = arith.index_cast %mul3A_536 : i32 to index
      %swap3A_537 = tpu.vector_load %arg6[%swap3A] {strides = array<i32>} : memref<8192xi32, #tpu.memory_space<vmem>>, vector<16xi32>,
      %swap3A_538 = vector.shape_cast %swap3A_537 : vector<16xi32> to vector<16xi32>
      %swap3A_539 = vector.shape_cast %select_n3A : vector<16xi32> to vector<16xi32>
      tpu.vector_store %arg6[%swap3A], %swap3A_539 {strides = array<i32>} : memref<8192xi32, #tpu.memory_space<vmem>>, vector<16xi32>,
      %scan3A_540 = arith.constant 0 : i32
      scf.yield %scan3A_540 : i32
    }
    %scan3A_453 = arith.constant 512 : i32
    %dma_start3A_454 = arith.constant 0 : i32
    %dma_start3A_455 = tpu.memref_slice %arg4[%dma_start3A_454] : memref<83886080xf32, #tpu.memory_space<hbm>> -> memref<83886080xf32, #tpu.memory_space<hbm>>
    tpu.enqueue_indirect_dma source(%arg7 : memref<8192xf32, #tpu.memory_space<vmem>>) target(%dma_start3A_455 : memref<83886080xf32, #tpu.memory_space<hbm>>) offsets(%arg6 : memref<8192xi32, #tpu.memory_space<vmem>>) semaphore(%arg9 : memref<!tpu.dma_semaphore, #tpu.memory_space<semaphore_mem>>)
    %dma_wait3A_456 = arith.constant 0 : i32
    %dma_wait3A_457 = tpu.memref_slice %arg4[%dma_wait3A_456] : memref<83886080xf32, #tpu.memory_space<hbm>> -> memref<83886080xf32, #tpu.memory_space<hbm>>
    tpu.wait_indirect_dma semaphore(%arg9 : memref<!tpu.dma_semaphore, #tpu.memory_space<semaphore_mem>>) src(%arg7 : memref<8192xf32, #tpu.memory_space<vmem>>) dst(%dma_wait3A_457 : memref<83886080xf32, #tpu.memory_space<hbm>>)
    %mul3A_458 = arith.constant 65536 : i32
    %mul3A_459 = arith.muli %arg1, %mul3A_458 : i32
    %add3A_460 = arith.constant 32768 : i32
    %add3A_461 = arith.addi %mul3A_459, %add3A_460 : i32
    "tpu.region"() ({
      %run_scoped3A = tpu.sem_alloc : memref<!tpu.dma_semaphore, #tpu.memory_space<semaphore_mem>>
      %dma_start3A_518 = tpu.memref_slice %arg2[%add3A_461] : memref<1048576xi32, #tpu.memory_space<hbm>> -> memref<8192xi32, #tpu.memory_space<hbm>>
      %dma_start3A_519 = tpu.memref_slice %arg2[%add3A_461] : memref<1048576xi32, #tpu.memory_space<hbm>> -> memref<8192xi32, #tpu.memory_space<hbm>>
      tpu.enqueue_dma source(%dma_start3A_519 : memref<8192xi32, #tpu.memory_space<hbm>>) target(%arg6 : memref<8192xi32, #tpu.memory_space<vmem>>) target_semaphore(%run_scoped3A : memref<!tpu.dma_semaphore, #tpu.memory_space<semaphore_mem>>)
      %dma_wait3A_520 = tpu.memref_slice %arg2[%add3A_461] : memref<1048576xi32, #tpu.memory_space<hbm>> -> memref<8192xi32, #tpu.memory_space<hbm>>
      %dma_wait3A_521 = tpu.memref_slice %arg2[%add3A_461] : memref<1048576xi32, #tpu.memory_space<hbm>> -> memref<8192xi32, #tpu.memory_space<hbm>>
      tpu.wait_dma2 semaphore(%run_scoped3A : memref<!tpu.dma_semaphore, #tpu.memory_space<semaphore_mem>>) src(%dma_wait3A_521 : memref<8192xi32, #tpu.memory_space<hbm>>) dst(%arg6 : memref<8192xi32, #tpu.memory_space<vmem>>)
      tpu.yield
    }) : () -> ()
    "tpu.region"() ({
      %run_scoped3A = tpu.sem_alloc : memref<!tpu.dma_semaphore, #tpu.memory_space<semaphore_mem>>
      %dma_start3A_518 = tpu.memref_slice %arg3[%add3A_461] : memref<1048576xf32, #tpu.memory_space<hbm>> -> memref<8192xf32, #tpu.memory_space<hbm>>
      %dma_start3A_519 = tpu.memref_slice %arg3[%add3A_461] : memref<1048576xf32, #tpu.memory_space<hbm>> -> memref<8192xf32, #tpu.memory_space<hbm>>
      tpu.enqueue_dma source(%dma_start3A_519 : memref<8192xf32, #tpu.memory_space<hbm>>) target(%arg7 : memref<8192xf32, #tpu.memory_space<vmem>>) target_semaphore(%run_scoped3A : memref<!tpu.dma_semaphore, #tpu.memory_space<semaphore_mem>>)
      %dma_wait3A_520 = tpu.memref_slice %arg3[%add3A_461] : memref<1048576xf32, #tpu.memory_space<hbm>> -> memref<8192xf32, #tpu.memory_space<hbm>>
      %dma_wait3A_521 = tpu.memref_slice %arg3[%add3A_461] : memref<1048576xf32, #tpu.memory_space<hbm>> -> memref<8192xf32, #tpu.memory_space<hbm>>
      tpu.wait_dma2 semaphore(%run_scoped3A : memref<!tpu.dma_semaphore, #tpu.memory_space<semaphore_mem>>) src(%dma_wait3A_521 : memref<8192xf32, #tpu.memory_space<hbm>>) dst(%arg7 : memref<8192xf32, #tpu.memory_space<vmem>>)
      tpu.yield
    }) : () -> ()
    %scan3A_462 = arith.constant 0 : i32
    %scan3A_463 = arith.constant 0 : i32
    %scan3A_464 = arith.constant 512 : i32
    %scan3A_465 = arith.addi %scan3A_463, %scan3A_464 : i32
    %scan3A_466 = arith.constant 1 : i32
    %scan3A_467 = scf.for %scan3A_518 = %scan3A_463 to %scan3A_465 step %scan3A_466 iter_args(%scan3A_519 = %scan3A_462) -> (i32)  : i32 {
      %mul3A_520 = arith.constant 16 : i32
      %mul3A_521 = arith.muli %scan3A_518, %mul3A_520 : i32
      %get3A = arith.index_cast %mul3A_521 : i32 to index
      %get3A_522 = tpu.vector_load %arg6[%get3A] {strides = array<i32>} : memref<8192xi32, #tpu.memory_space<vmem>>, vector<16xi32>,
      %get3A_523 = vector.shape_cast %get3A_522 : vector<16xi32> to vector<16xi32>
      %ge3A = vector.broadcast %mul3A_395 : i32 to vector<16xi32>
      %ge3A_524 = arith.cmpi sge, %get3A_523, %ge3A : vector<16xi32>
      %lt3A = vector.broadcast %add3A_397 : i32 to vector<16xi32>
      %lt3A_525 = arith.cmpi slt, %get3A_523, %lt3A : vector<16xi32>
      %and3A = arith.andi %ge3A_524, %lt3A_525 : vector<16xi1>
      %mul3A_526 = arith.constant 16 : i32
      %mul3A_527 = arith.muli %scan3A_518, %mul3A_526 : i32
      %add3A_528 = arith.addi %add3A_461, %mul3A_527 : i32
      %mul3A_529 = arith.constant 16 : i32
      %mul3A_530 = arith.muli %add3A_528, %mul3A_529 : i32
      %add3A_531 = arith.constant 67108864 : i32
      %add3A_532 = arith.addi %add3A_531, %mul3A_530 : i32
      %add3A_533 = vector.broadcast %add3A_532 : i32 to vector<16xi32>
      %add3A_534 = arith.addi %add3A_533, %mul3A_1 : vector<16xi32>
      %select_n3A = arith.select %and3A, %get3A_523, %add3A_534 : vector<16xi1>, vector<16xi32>
      %mul3A_535 = arith.constant 16 : i32
      %mul3A_536 = arith.muli %scan3A_518, %mul3A_535 : i32
      %swap3A = arith.index_cast %mul3A_536 : i32 to index
      %swap3A_537 = tpu.vector_load %arg6[%swap3A] {strides = array<i32>} : memref<8192xi32, #tpu.memory_space<vmem>>, vector<16xi32>,
      %swap3A_538 = vector.shape_cast %swap3A_537 : vector<16xi32> to vector<16xi32>
      %swap3A_539 = vector.shape_cast %select_n3A : vector<16xi32> to vector<16xi32>
      tpu.vector_store %arg6[%swap3A], %swap3A_539 {strides = array<i32>} : memref<8192xi32, #tpu.memory_space<vmem>>, vector<16xi32>,
      %scan3A_540 = arith.constant 0 : i32
      scf.yield %scan3A_540 : i32
    }
    %scan3A_468 = arith.constant 512 : i32
    %dma_start3A_469 = arith.constant 0 : i32
    %dma_start3A_470 = tpu.memref_slice %arg4[%dma_start3A_469] : memref<83886080xf32, #tpu.memory_space<hbm>> -> memref<83886080xf32, #tpu.memory_space<hbm>>
    tpu.enqueue_indirect_dma source(%arg7 : memref<8192xf32, #tpu.memory_space<vmem>>) target(%dma_start3A_470 : memref<83886080xf32, #tpu.memory_space<hbm>>) offsets(%arg6 : memref<8192xi32, #tpu.memory_space<vmem>>) semaphore(%arg9 : memref<!tpu.dma_semaphore, #tpu.memory_space<semaphore_mem>>)
    %dma_wait3A_471 = arith.constant 0 : i32
    %dma_wait3A_472 = tpu.memref_slice %arg4[%dma_wait3A_471] : memref<83886080xf32, #tpu.memory_space<hbm>> -> memref<83886080xf32, #tpu.memory_space<hbm>>
    tpu.wait_indirect_dma semaphore(%arg9 : memref<!tpu.dma_semaphore, #tpu.memory_space<semaphore_mem>>) src(%arg7 : memref<8192xf32, #tpu.memory_space<vmem>>) dst(%dma_wait3A_472 : memref<83886080xf32, #tpu.memory_space<hbm>>)
    %mul3A_473 = arith.constant 65536 : i32
    %mul3A_474 = arith.muli %arg1, %mul3A_473 : i32
    %add3A_475 = arith.constant 40960 : i32
    %add3A_476 = arith.addi %mul3A_474, %add3A_475 : i32
    "tpu.region"() ({
      %run_scoped3A = tpu.sem_alloc : memref<!tpu.dma_semaphore, #tpu.memory_space<semaphore_mem>>
      %dma_start3A_518 = tpu.memref_slice %arg2[%add3A_476] : memref<1048576xi32, #tpu.memory_space<hbm>> -> memref<8192xi32, #tpu.memory_space<hbm>>
      %dma_start3A_519 = tpu.memref_slice %arg2[%add3A_476] : memref<1048576xi32, #tpu.memory_space<hbm>> -> memref<8192xi32, #tpu.memory_space<hbm>>
      tpu.enqueue_dma source(%dma_start3A_519 : memref<8192xi32, #tpu.memory_space<hbm>>) target(%arg6 : memref<8192xi32, #tpu.memory_space<vmem>>) target_semaphore(%run_scoped3A : memref<!tpu.dma_semaphore, #tpu.memory_space<semaphore_mem>>)
      %dma_wait3A_520 = tpu.memref_slice %arg2[%add3A_476] : memref<1048576xi32, #tpu.memory_space<hbm>> -> memref<8192xi32, #tpu.memory_space<hbm>>
      %dma_wait3A_521 = tpu.memref_slice %arg2[%add3A_476] : memref<1048576xi32, #tpu.memory_space<hbm>> -> memref<8192xi32, #tpu.memory_space<hbm>>
      tpu.wait_dma2 semaphore(%run_scoped3A : memref<!tpu.dma_semaphore, #tpu.memory_space<semaphore_mem>>) src(%dma_wait3A_521 : memref<8192xi32, #tpu.memory_space<hbm>>) dst(%arg6 : memref<8192xi32, #tpu.memory_space<vmem>>)
      tpu.yield
    }) : () -> ()
    "tpu.region"() ({
      %run_scoped3A = tpu.sem_alloc : memref<!tpu.dma_semaphore, #tpu.memory_space<semaphore_mem>>
      %dma_start3A_518 = tpu.memref_slice %arg3[%add3A_476] : memref<1048576xf32, #tpu.memory_space<hbm>> -> memref<8192xf32, #tpu.memory_space<hbm>>
      %dma_start3A_519 = tpu.memref_slice %arg3[%add3A_476] : memref<1048576xf32, #tpu.memory_space<hbm>> -> memref<8192xf32, #tpu.memory_space<hbm>>
      tpu.enqueue_dma source(%dma_start3A_519 : memref<8192xf32, #tpu.memory_space<hbm>>) target(%arg7 : memref<8192xf32, #tpu.memory_space<vmem>>) target_semaphore(%run_scoped3A : memref<!tpu.dma_semaphore, #tpu.memory_space<semaphore_mem>>)
      %dma_wait3A_520 = tpu.memref_slice %arg3[%add3A_476] : memref<1048576xf32, #tpu.memory_space<hbm>> -> memref<8192xf32, #tpu.memory_space<hbm>>
      %dma_wait3A_521 = tpu.memref_slice %arg3[%add3A_476] : memref<1048576xf32, #tpu.memory_space<hbm>> -> memref<8192xf32, #tpu.memory_space<hbm>>
      tpu.wait_dma2 semaphore(%run_scoped3A : memref<!tpu.dma_semaphore, #tpu.memory_space<semaphore_mem>>) src(%dma_wait3A_521 : memref<8192xf32, #tpu.memory_space<hbm>>) dst(%arg7 : memref<8192xf32, #tpu.memory_space<vmem>>)
      tpu.yield
    }) : () -> ()
    %scan3A_477 = arith.constant 0 : i32
    %scan3A_478 = arith.constant 0 : i32
    %scan3A_479 = arith.constant 512 : i32
    %scan3A_480 = arith.addi %scan3A_478, %scan3A_479 : i32
    %scan3A_481 = arith.constant 1 : i32
    %scan3A_482 = scf.for %scan3A_518 = %scan3A_478 to %scan3A_480 step %scan3A_481 iter_args(%scan3A_519 = %scan3A_477) -> (i32)  : i32 {
      %mul3A_520 = arith.constant 16 : i32
      %mul3A_521 = arith.muli %scan3A_518, %mul3A_520 : i32
      %get3A = arith.index_cast %mul3A_521 : i32 to index
      %get3A_522 = tpu.vector_load %arg6[%get3A] {strides = array<i32>} : memref<8192xi32, #tpu.memory_space<vmem>>, vector<16xi32>,
      %get3A_523 = vector.shape_cast %get3A_522 : vector<16xi32> to vector<16xi32>
      %ge3A = vector.broadcast %mul3A_395 : i32 to vector<16xi32>
      %ge3A_524 = arith.cmpi sge, %get3A_523, %ge3A : vector<16xi32>
      %lt3A = vector.broadcast %add3A_397 : i32 to vector<16xi32>
      %lt3A_525 = arith.cmpi slt, %get3A_523, %lt3A : vector<16xi32>
      %and3A = arith.andi %ge3A_524, %lt3A_525 : vector<16xi1>
      %mul3A_526 = arith.constant 16 : i32
      %mul3A_527 = arith.muli %scan3A_518, %mul3A_526 : i32
      %add3A_528 = arith.addi %add3A_476, %mul3A_527 : i32
      %mul3A_529 = arith.constant 16 : i32
      %mul3A_530 = arith.muli %add3A_528, %mul3A_529 : i32
      %add3A_531 = arith.constant 67108864 : i32
      %add3A_532 = arith.addi %add3A_531, %mul3A_530 : i32
      %add3A_533 = vector.broadcast %add3A_532 : i32 to vector<16xi32>
      %add3A_534 = arith.addi %add3A_533, %mul3A_1 : vector<16xi32>
      %select_n3A = arith.select %and3A, %get3A_523, %add3A_534 : vector<16xi1>, vector<16xi32>
      %mul3A_535 = arith.constant 16 : i32
      %mul3A_536 = arith.muli %scan3A_518, %mul3A_535 : i32
      %swap3A = arith.index_cast %mul3A_536 : i32 to index
      %swap3A_537 = tpu.vector_load %arg6[%swap3A] {strides = array<i32>} : memref<8192xi32, #tpu.memory_space<vmem>>, vector<16xi32>,
      %swap3A_538 = vector.shape_cast %swap3A_537 : vector<16xi32> to vector<16xi32>
      %swap3A_539 = vector.shape_cast %select_n3A : vector<16xi32> to vector<16xi32>
      tpu.vector_store %arg6[%swap3A], %swap3A_539 {strides = array<i32>} : memref<8192xi32, #tpu.memory_space<vmem>>, vector<16xi32>,
      %scan3A_540 = arith.constant 0 : i32
      scf.yield %scan3A_540 : i32
    }
    %scan3A_483 = arith.constant 512 : i32
    %dma_start3A_484 = arith.constant 0 : i32
    %dma_start3A_485 = tpu.memref_slice %arg4[%dma_start3A_484] : memref<83886080xf32, #tpu.memory_space<hbm>> -> memref<83886080xf32, #tpu.memory_space<hbm>>
    tpu.enqueue_indirect_dma source(%arg7 : memref<8192xf32, #tpu.memory_space<vmem>>) target(%dma_start3A_485 : memref<83886080xf32, #tpu.memory_space<hbm>>) offsets(%arg6 : memref<8192xi32, #tpu.memory_space<vmem>>) semaphore(%arg9 : memref<!tpu.dma_semaphore, #tpu.memory_space<semaphore_mem>>)
    %dma_wait3A_486 = arith.constant 0 : i32
    %dma_wait3A_487 = tpu.memref_slice %arg4[%dma_wait3A_486] : memref<83886080xf32, #tpu.memory_space<hbm>> -> memref<83886080xf32, #tpu.memory_space<hbm>>
    tpu.wait_indirect_dma semaphore(%arg9 : memref<!tpu.dma_semaphore, #tpu.memory_space<semaphore_mem>>) src(%arg7 : memref<8192xf32, #tpu.memory_space<vmem>>) dst(%dma_wait3A_487 : memref<83886080xf32, #tpu.memory_space<hbm>>)
    %mul3A_488 = arith.constant 65536 : i32
    %mul3A_489 = arith.muli %arg1, %mul3A_488 : i32
    %add3A_490 = arith.constant 49152 : i32
    %add3A_491 = arith.addi %mul3A_489, %add3A_490 : i32
    "tpu.region"() ({
      %run_scoped3A = tpu.sem_alloc : memref<!tpu.dma_semaphore, #tpu.memory_space<semaphore_mem>>
      %dma_start3A_518 = tpu.memref_slice %arg2[%add3A_491] : memref<1048576xi32, #tpu.memory_space<hbm>> -> memref<8192xi32, #tpu.memory_space<hbm>>
      %dma_start3A_519 = tpu.memref_slice %arg2[%add3A_491] : memref<1048576xi32, #tpu.memory_space<hbm>> -> memref<8192xi32, #tpu.memory_space<hbm>>
      tpu.enqueue_dma source(%dma_start3A_519 : memref<8192xi32, #tpu.memory_space<hbm>>) target(%arg6 : memref<8192xi32, #tpu.memory_space<vmem>>) target_semaphore(%run_scoped3A : memref<!tpu.dma_semaphore, #tpu.memory_space<semaphore_mem>>)
      %dma_wait3A_520 = tpu.memref_slice %arg2[%add3A_491] : memref<1048576xi32, #tpu.memory_space<hbm>> -> memref<8192xi32, #tpu.memory_space<hbm>>
      %dma_wait3A_521 = tpu.memref_slice %arg2[%add3A_491] : memref<1048576xi32, #tpu.memory_space<hbm>> -> memref<8192xi32, #tpu.memory_space<hbm>>
      tpu.wait_dma2 semaphore(%run_scoped3A : memref<!tpu.dma_semaphore, #tpu.memory_space<semaphore_mem>>) src(%dma_wait3A_521 : memref<8192xi32, #tpu.memory_space<hbm>>) dst(%arg6 : memref<8192xi32, #tpu.memory_space<vmem>>)
      tpu.yield
    }) : () -> ()
    "tpu.region"() ({
      %run_scoped3A = tpu.sem_alloc : memref<!tpu.dma_semaphore, #tpu.memory_space<semaphore_mem>>
      %dma_start3A_518 = tpu.memref_slice %arg3[%add3A_491] : memref<1048576xf32, #tpu.memory_space<hbm>> -> memref<8192xf32, #tpu.memory_space<hbm>>
      %dma_start3A_519 = tpu.memref_slice %arg3[%add3A_491] : memref<1048576xf32, #tpu.memory_space<hbm>> -> memref<8192xf32, #tpu.memory_space<hbm>>
      tpu.enqueue_dma source(%dma_start3A_519 : memref<8192xf32, #tpu.memory_space<hbm>>) target(%arg7 : memref<8192xf32, #tpu.memory_space<vmem>>) target_semaphore(%run_scoped3A : memref<!tpu.dma_semaphore, #tpu.memory_space<semaphore_mem>>)
      %dma_wait3A_520 = tpu.memref_slice %arg3[%add3A_491] : memref<1048576xf32, #tpu.memory_space<hbm>> -> memref<8192xf32, #tpu.memory_space<hbm>>
      %dma_wait3A_521 = tpu.memref_slice %arg3[%add3A_491] : memref<1048576xf32, #tpu.memory_space<hbm>> -> memref<8192xf32, #tpu.memory_space<hbm>>
      tpu.wait_dma2 semaphore(%run_scoped3A : memref<!tpu.dma_semaphore, #tpu.memory_space<semaphore_mem>>) src(%dma_wait3A_521 : memref<8192xf32, #tpu.memory_space<hbm>>) dst(%arg7 : memref<8192xf32, #tpu.memory_space<vmem>>)
      tpu.yield
    }) : () -> ()
    %scan3A_492 = arith.constant 0 : i32
    %scan3A_493 = arith.constant 0 : i32
    %scan3A_494 = arith.constant 512 : i32
    %scan3A_495 = arith.addi %scan3A_493, %scan3A_494 : i32
    %scan3A_496 = arith.constant 1 : i32
    %scan3A_497 = scf.for %scan3A_518 = %scan3A_493 to %scan3A_495 step %scan3A_496 iter_args(%scan3A_519 = %scan3A_492) -> (i32)  : i32 {
      %mul3A_520 = arith.constant 16 : i32
      %mul3A_521 = arith.muli %scan3A_518, %mul3A_520 : i32
      %get3A = arith.index_cast %mul3A_521 : i32 to index
      %get3A_522 = tpu.vector_load %arg6[%get3A] {strides = array<i32>} : memref<8192xi32, #tpu.memory_space<vmem>>, vector<16xi32>,
      %get3A_523 = vector.shape_cast %get3A_522 : vector<16xi32> to vector<16xi32>
      %ge3A = vector.broadcast %mul3A_395 : i32 to vector<16xi32>
      %ge3A_524 = arith.cmpi sge, %get3A_523, %ge3A : vector<16xi32>
      %lt3A = vector.broadcast %add3A_397 : i32 to vector<16xi32>
      %lt3A_525 = arith.cmpi slt, %get3A_523, %lt3A : vector<16xi32>
      %and3A = arith.andi %ge3A_524, %lt3A_525 : vector<16xi1>
      %mul3A_526 = arith.constant 16 : i32
      %mul3A_527 = arith.muli %scan3A_518, %mul3A_526 : i32
      %add3A_528 = arith.addi %add3A_491, %mul3A_527 : i32
      %mul3A_529 = arith.constant 16 : i32
      %mul3A_530 = arith.muli %add3A_528, %mul3A_529 : i32
      %add3A_531 = arith.constant 67108864 : i32
      %add3A_532 = arith.addi %add3A_531, %mul3A_530 : i32
      %add3A_533 = vector.broadcast %add3A_532 : i32 to vector<16xi32>
      %add3A_534 = arith.addi %add3A_533, %mul3A_1 : vector<16xi32>
      %select_n3A = arith.select %and3A, %get3A_523, %add3A_534 : vector<16xi1>, vector<16xi32>
      %mul3A_535 = arith.constant 16 : i32
      %mul3A_536 = arith.muli %scan3A_518, %mul3A_535 : i32
      %swap3A = arith.index_cast %mul3A_536 : i32 to index
      %swap3A_537 = tpu.vector_load %arg6[%swap3A] {strides = array<i32>} : memref<8192xi32, #tpu.memory_space<vmem>>, vector<16xi32>,
      %swap3A_538 = vector.shape_cast %swap3A_537 : vector<16xi32> to vector<16xi32>
      %swap3A_539 = vector.shape_cast %select_n3A : vector<16xi32> to vector<16xi32>
      tpu.vector_store %arg6[%swap3A], %swap3A_539 {strides = array<i32>} : memref<8192xi32, #tpu.memory_space<vmem>>, vector<16xi32>,
      %scan3A_540 = arith.constant 0 : i32
      scf.yield %scan3A_540 : i32
    }
    %scan3A_498 = arith.constant 512 : i32
    %dma_start3A_499 = arith.constant 0 : i32
    %dma_start3A_500 = tpu.memref_slice %arg4[%dma_start3A_499] : memref<83886080xf32, #tpu.memory_space<hbm>> -> memref<83886080xf32, #tpu.memory_space<hbm>>
    tpu.enqueue_indirect_dma source(%arg7 : memref<8192xf32, #tpu.memory_space<vmem>>) target(%dma_start3A_500 : memref<83886080xf32, #tpu.memory_space<hbm>>) offsets(%arg6 : memref<8192xi32, #tpu.memory_space<vmem>>) semaphore(%arg9 : memref<!tpu.dma_semaphore, #tpu.memory_space<semaphore_mem>>)
    %dma_wait3A_501 = arith.constant 0 : i32
    %dma_wait3A_502 = tpu.memref_slice %arg4[%dma_wait3A_501] : memref<83886080xf32, #tpu.memory_space<hbm>> -> memref<83886080xf32, #tpu.memory_space<hbm>>
    tpu.wait_indirect_dma semaphore(%arg9 : memref<!tpu.dma_semaphore, #tpu.memory_space<semaphore_mem>>) src(%arg7 : memref<8192xf32, #tpu.memory_space<vmem>>) dst(%dma_wait3A_502 : memref<83886080xf32, #tpu.memory_space<hbm>>)
    %mul3A_503 = arith.constant 65536 : i32
    %mul3A_504 = arith.muli %arg1, %mul3A_503 : i32
    %add3A_505 = arith.constant 57344 : i32
    %add3A_506 = arith.addi %mul3A_504, %add3A_505 : i32
    "tpu.region"() ({
      %run_scoped3A = tpu.sem_alloc : memref<!tpu.dma_semaphore, #tpu.memory_space<semaphore_mem>>
      %dma_start3A_518 = tpu.memref_slice %arg2[%add3A_506] : memref<1048576xi32, #tpu.memory_space<hbm>> -> memref<8192xi32, #tpu.memory_space<hbm>>
      %dma_start3A_519 = tpu.memref_slice %arg2[%add3A_506] : memref<1048576xi32, #tpu.memory_space<hbm>> -> memref<8192xi32, #tpu.memory_space<hbm>>
      tpu.enqueue_dma source(%dma_start3A_519 : memref<8192xi32, #tpu.memory_space<hbm>>) target(%arg6 : memref<8192xi32, #tpu.memory_space<vmem>>) target_semaphore(%run_scoped3A : memref<!tpu.dma_semaphore, #tpu.memory_space<semaphore_mem>>)
      %dma_wait3A_520 = tpu.memref_slice %arg2[%add3A_506] : memref<1048576xi32, #tpu.memory_space<hbm>> -> memref<8192xi32, #tpu.memory_space<hbm>>
      %dma_wait3A_521 = tpu.memref_slice %arg2[%add3A_506] : memref<1048576xi32, #tpu.memory_space<hbm>> -> memref<8192xi32, #tpu.memory_space<hbm>>
      tpu.wait_dma2 semaphore(%run_scoped3A : memref<!tpu.dma_semaphore, #tpu.memory_space<semaphore_mem>>) src(%dma_wait3A_521 : memref<8192xi32, #tpu.memory_space<hbm>>) dst(%arg6 : memref<8192xi32, #tpu.memory_space<vmem>>)
      tpu.yield
    }) : () -> ()
    "tpu.region"() ({
      %run_scoped3A = tpu.sem_alloc : memref<!tpu.dma_semaphore, #tpu.memory_space<semaphore_mem>>
      %dma_start3A_518 = tpu.memref_slice %arg3[%add3A_506] : memref<1048576xf32, #tpu.memory_space<hbm>> -> memref<8192xf32, #tpu.memory_space<hbm>>
      %dma_start3A_519 = tpu.memref_slice %arg3[%add3A_506] : memref<1048576xf32, #tpu.memory_space<hbm>> -> memref<8192xf32, #tpu.memory_space<hbm>>
      tpu.enqueue_dma source(%dma_start3A_519 : memref<8192xf32, #tpu.memory_space<hbm>>) target(%arg7 : memref<8192xf32, #tpu.memory_space<vmem>>) target_semaphore(%run_scoped3A : memref<!tpu.dma_semaphore, #tpu.memory_space<semaphore_mem>>)
      %dma_wait3A_520 = tpu.memref_slice %arg3[%add3A_506] : memref<1048576xf32, #tpu.memory_space<hbm>> -> memref<8192xf32, #tpu.memory_space<hbm>>
      %dma_wait3A_521 = tpu.memref_slice %arg3[%add3A_506] : memref<1048576xf32, #tpu.memory_space<hbm>> -> memref<8192xf32, #tpu.memory_space<hbm>>
      tpu.wait_dma2 semaphore(%run_scoped3A : memref<!tpu.dma_semaphore, #tpu.memory_space<semaphore_mem>>) src(%dma_wait3A_521 : memref<8192xf32, #tpu.memory_space<hbm>>) dst(%arg7 : memref<8192xf32, #tpu.memory_space<vmem>>)
      tpu.yield
    }) : () -> ()
    %scan3A_507 = arith.constant 0 : i32
    %scan3A_508 = arith.constant 0 : i32
    %scan3A_509 = arith.constant 512 : i32
    %scan3A_510 = arith.addi %scan3A_508, %scan3A_509 : i32
    %scan3A_511 = arith.constant 1 : i32
    %scan3A_512 = scf.for %scan3A_518 = %scan3A_508 to %scan3A_510 step %scan3A_511 iter_args(%scan3A_519 = %scan3A_507) -> (i32)  : i32 {
      %mul3A_520 = arith.constant 16 : i32
      %mul3A_521 = arith.muli %scan3A_518, %mul3A_520 : i32
      %get3A = arith.index_cast %mul3A_521 : i32 to index
      %get3A_522 = tpu.vector_load %arg6[%get3A] {strides = array<i32>} : memref<8192xi32, #tpu.memory_space<vmem>>, vector<16xi32>,
      %get3A_523 = vector.shape_cast %get3A_522 : vector<16xi32> to vector<16xi32>
      %ge3A = vector.broadcast %mul3A_395 : i32 to vector<16xi32>
      %ge3A_524 = arith.cmpi sge, %get3A_523, %ge3A : vector<16xi32>
      %lt3A = vector.broadcast %add3A_397 : i32 to vector<16xi32>
      %lt3A_525 = arith.cmpi slt, %get3A_523, %lt3A : vector<16xi32>
      %and3A = arith.andi %ge3A_524, %lt3A_525 : vector<16xi1>
      %mul3A_526 = arith.constant 16 : i32
      %mul3A_527 = arith.muli %scan3A_518, %mul3A_526 : i32
      %add3A_528 = arith.addi %add3A_506, %mul3A_527 : i32
      %mul3A_529 = arith.constant 16 : i32
      %mul3A_530 = arith.muli %add3A_528, %mul3A_529 : i32
      %add3A_531 = arith.constant 67108864 : i32
      %add3A_532 = arith.addi %add3A_531, %mul3A_530 : i32
      %add3A_533 = vector.broadcast %add3A_532 : i32 to vector<16xi32>
      %add3A_534 = arith.addi %add3A_533, %mul3A_1 : vector<16xi32>
      %select_n3A = arith.select %and3A, %get3A_523, %add3A_534 : vector<16xi1>, vector<16xi32>
      %mul3A_535 = arith.constant 16 : i32
      %mul3A_536 = arith.muli %scan3A_518, %mul3A_535 : i32
      %swap3A = arith.index_cast %mul3A_536 : i32 to index
      %swap3A_537 = tpu.vector_load %arg6[%swap3A] {strides = array<i32>} : memref<8192xi32, #tpu.memory_space<vmem>>, vector<16xi32>,
      %swap3A_538 = vector.shape_cast %swap3A_537 : vector<16xi32> to vector<16xi32>
      %swap3A_539 = vector.shape_cast %select_n3A : vector<16xi32> to vector<16xi32>
      tpu.vector_store %arg6[%swap3A], %swap3A_539 {strides = array<i32>} : memref<8192xi32, #tpu.memory_space<vmem>>, vector<16xi32>,
      %scan3A_540 = arith.constant 0 : i32
      scf.yield %scan3A_540 : i32
    }
    %scan3A_513 = arith.constant 512 : i32
    %dma_start3A_514 = arith.constant 0 : i32
    %dma_start3A_515 = tpu.memref_slice %arg4[%dma_start3A_514] : memref<83886080xf32, #tpu.memory_space<hbm>> -> memref<83886080xf32, #tpu.memory_space<hbm>>
    tpu.enqueue_indirect_dma source(%arg7 : memref<8192xf32, #tpu.memory_space<vmem>>) target(%dma_start3A_515 : memref<83886080xf32, #tpu.memory_space<hbm>>) offsets(%arg6 : memref<8192xi32, #tpu.memory_space<vmem>>) semaphore(%arg9 : memref<!tpu.dma_semaphore, #tpu.memory_space<semaphore_mem>>)
    %dma_wait3A_516 = arith.constant 0 : i32
    %dma_wait3A_517 = tpu.memref_slice %arg4[%dma_wait3A_516] : memref<83886080xf32, #tpu.memory_space<hbm>> -> memref<83886080xf32, #tpu.memory_space<hbm>>
    tpu.wait_indirect_dma semaphore(%arg9 : memref<!tpu.dma_semaphore, #tpu.memory_space<semaphore_mem>>) src(%arg7 : memref<8192xf32, #tpu.memory_space<vmem>>) dst(%dma_wait3A_517 : memref<83886080xf32, #tpu.memory_space<hbm>>)
    return
  }
}

</mosaic_0001>

<sc_bundles>
// kernel: _sc_scatter.3.cloned.1.call-start
scs
__scs_entry_jumppad:
0x0: {  	(pc) =	sbr.rel $0x88, $3  }
0x1: {  	(tag) =	ssettag $0x0;
	lr =	simm.s32 $0x1  }
0x2: {  	[smem:$0x3F9F] =	sst lr;
	_ =	strace $0xD0000000  }
0x3: {  	_ = 	snop  }
0x4: {  	_ = 	snop  }
0x5: {  	_ = 	snop  }
0x6: {  	_ = 	snop  }
0x7: {  	_ = 	snop  }
__scs_overlays_trampoline_lowered:
0x8: {  	[smem:$0x3FAE] =	sst s0  }
0x9: {  	[smem:$0x3FAF] =	sst s1  }
0xa: {  	[smem:$0x3FB0] =	sst s2  }
0xb: {  	[smem:$0x3FB1] =	sst s3  }
0xc: {  	[smem:$0x3FB2] =	sst s4  }
0xd: {  	[smem:$0x3FB3] =	sst s5  }
0xe: {  	[smem:$0x3FB4] =	sst s6  }
0xf: {  	[smem:$0x3FB5] =	sst s7  }
0x10: {  	[smem:$0x3FB6] =	sst s8  }
0x11: {  	[smem:$0x3FB7] =	sst s9;
	s0 =	simm.s32 @!p0 $0x0  }
0x12: {  	s1 =	sld [smem:$0x3F9D];
	s0 =	simm.s32 @p0 $0x1  }
0x13: {  	[smem:$0x3FB8] =	sst s0;
	s0 =	simm.s32 @!p1 $0x0  }
0x14: {  	s2 =	sld [smem:$0x3F9C];
	s0 =	simm.s32 @p1 $0x1  }
0x15: {  	[smem:$0x3FB9] =	sst s0;
	s0 =	simm.s32 @!p2 $0x0  }
0x16: {  	s3 =	sld [smem:$0x3FDB];
	s0 =	simm.s32 @p2 $0x1  }
0x17: {  	s4 =	simm.s32 $0x1BF5;
	[smem:$0x3FBB] =	sst s0  }
0x18: {  	s0 =	sld [smem:$0x3F9E];
	_ =	swait.ge [sflag:s4], $0x0  }
0x19: {  	s7 =	sld [smem:$0x3F9F]  }
0x1a: {  	s8 =	sadd.s32 $0xFFFFE003, lr  }
0x1b: {  	s9 =	sadd.s32 $0xFFFFFEF7, lr;
	s5 =	simm.s32 $0xFFFFFFFF;
	p2 =	slt.u32 s8, $0xFFFFF086  }
0x1c: {  	p1 =	slt.u32 s9, $0xF7A;
	s5 =	simm.s32 @!p2 $0x0  }
0x1d: {  	s5 =	simm.s32 @p1 $0x1;
	p0 =	seq.s32 s7, s2  }
0x1e: {  	s7 =	smul.u32 @!p0 $0xF7A, s2;
	p2 =	seq.s32 @!p0 s5, $0x0  }
0x1f: {  	s9 =	smul.u32 $0xF7A, s1;
	s8 =	simm.s32 @!p0 $0x1BF5;
	p2 =	por !p2, p0  }
0x20: {  	[sflag:s8] =	ssyncset.s32 @!p0 $0xFFFFF086;
	s6 =	sadd.s32 @!p0 s3, s7;
	s7 =	simm.s32 @!p0 $0x108  }
0x21: {  	s3 =	sadd.s32 s3, s9;
	s6 =	sadd.s32 @!p0 $0x88, s6;
	s7 =	simm.s32 @p2 $0x1082  }
0x22: {  	[simem:s7], [sflag:s8] =	dma.local @!p0 [hbm:s6], $0xF7A  }
0x23: {  	s9 =	sor.u32 $0xD0000000, s2;
	s6 =	simm.s32 $0x108;
	_ =	swait.ge @!p0 [sflag:s8], $0x0  }
0x24: {  	s3 =	sadd.s32 $0x88, s3;
	s6 =	simm.s32 @!p1 $0x1082;
	[sflag:s4] =	ssyncset.s32 $0xFFFFF086  }
0x25: {  	[simem:s6], [sflag:s4] =	dma.local [hbm:s3], $0xF7A  }
0x26: {  	[smem:$0x3F9F] =	sst s1;
	(tag) =	ssettag s2;
	_ =	strace s9  }
0x27: {  	s1 =	sld [smem:$0x3FAF]  }
0x28: {  	s2 =	sld [smem:$0x3FB0]  }
0x29: {  	s4 =	sld [smem:$0x3FB2]  }
0x2a: {  	p0 =	seq.s32 s5, $0x0;
	s5 =	sld [smem:$0x3FB3]  }
0x2b: {  	s6 =	sld [smem:$0x3FB4]  }
0x2c: {  	s7 =	sld [smem:$0x3FB5]  }
0x2d: {  	s3 =	simm.s32 $0x108;
	s8 =	sld [smem:$0x3FB6]  }
0x2e: {  	s3 =	simm.s32 @!p0 $0x1082;
	s9 =	sld [smem:$0x3FB7]  }
0x2f: {  	lr =	sadd.s32 s0, s3;
	s0 =	sld [smem:$0x3FAE]  }
0x30: {  	s3 =	sld [smem:$0x3FB1]  }
0x31: {  	[smem:$0x3FBA] =	sst s10  }
0x32: {  	s10 =	sld [smem:$0x3FB8];
	_ =	sdelay $0x3  }
0x33: {  	p0 =	seq.s32 s10, $0x1;
	s10 =	sld [smem:$0x3FBA];
	_ =	sdelay $0x3  }
0x34: {  	[smem:$0x3FBA] =	sst s10  }
0x35: {  	s10 =	sld [smem:$0x3FB9];
	_ =	sdelay $0x3  }
0x36: {  	p1 =	seq.s32 s10, $0x1;
	s10 =	sld [smem:$0x3FBA];
	_ =	sdelay $0x3  }
0x37: {  	[smem:$0x3FBA] =	sst s10  }
0x38: {  	s10 =	sld [smem:$0x3FBB]  }
0x39: {  	_ = 	snop;
	(pc) =	sbr.ind lr, $3  }
0x3a: {  	_ = 	snop  }
0x3b: {  	_ = 	snop  }
0x3c: {  	p2 =	seq.s32 s10, $0x1;
	s10 =	sld [smem:$0x3FBA]  }
0x3d: {  	_ =	shalt  }
0x3e: {  	_ =	shalt  }
0x3f: {  	_ =	shalt  }
0x40: {  	_ =	shalt  }
0x41: {  	_ =	shalt  }
0x42: {  	_ =	shalt  }
0x43: {  	_ =	shalt  }
0x44: {  	_ =	shalt  }
0x45: {  	_ =	shalt  }
0x46: {  	_ =	shalt  }
0x47: {  	_ =	shalt  }
0x48: {  	_ =	shalt  }
0x49: {  	_ =	shalt  }
0x4a: {  	_ =	shalt  }
0x4b: {  	_ =	shalt  }
0x4c: {  	_ =	shalt  }
0x4d: {  	_ =	shalt  }
0x4e: {  	_ =	shalt  }
0x4f: {  	_ =	shalt  }
0x50: {  	_ =	shalt  }
0x51: {  	_ =	shalt  }
0x52: {  	_ =	shalt  }
0x53: {  	_ =	shalt  }
0x54: {  	_ =	shalt  }
0x55: {  	_ =	shalt  }
0x56: {  	_ =	shalt  }
0x57: {  	_ =	shalt  }
0x58: {  	_ =	shalt  }
0x59: {  	_ =	shalt  }
0x5a: {  	_ =	shalt  }
0x5b: {  	_ =	shalt  }
0x5c: {  	_ =	shalt  }
0x5d: {  	_ =	shalt  }
0x5e: {  	_ =	shalt  }
0x5f: {  	_ =	shalt  }
0x60: {  	_ =	shalt  }
0x61: {  	_ =	shalt  }
0x62: {  	_ =	shalt  }
0x63: {  	_ =	shalt  }
0x64: {  	_ =	shalt  }
0x65: {  	_ =	shalt  }
0x66: {  	_ =	shalt  }
0x67: {  	_ =	shalt  }
0x68: {  	_ =	shalt  }
0x69: {  	_ =	shalt  }
0x6a: {  	_ =	shalt  }
0x6b: {  	_ =	shalt  }
0x6c: {  	_ =	shalt  }
0x6d: {  	_ =	shalt  }
0x6e: {  	_ =	shalt  }
0x6f: {  	_ =	shalt  }
0x70: {  	_ =	shalt  }
0x71: {  	_ =	shalt  }
0x72: {  	_ =	shalt  }
0x73: {  	_ =	shalt  }
0x74: {  	_ =	shalt  }
0x75: {  	_ =	shalt  }
0x76: {  	_ =	shalt  }
0x77: {  	_ =	shalt  }
0x78: {  	_ =	shalt  }
0x79: {  	_ =	shalt  }
0x7a: {  	_ =	shalt  }
0x7b: {  	_ =	shalt  }
0x7c: {  	_ =	shalt  }
0x7d: {  	_ =	shalt  }
0x7e: {  	_ =	shalt  }
0x7f: {  	_ =	shalt  }
0x80: {  	_ =	shalt  }
0x81: {  	_ =	shalt  }
0x82: {  	_ =	shalt  }
0x83: {  	_ =	shalt  }
0x84: {  	_ =	shalt  }
0x85: {  	_ =	shalt  }
0x86: {  	_ =	shalt  }
0x87: {  	_ =	shalt  }
.Lfunc_end0:
.L_simem_size_0:
called_computation_lowered:
.L_overlay_start_0:
0x88: {  	s2 =	sld [smem:$0x3FD9]  }
0x89: {  	s3 =	sld [smem:$0x3FFE];
	_ =	sdelay $0x1  }
0x8a: {  	s1 =	srdreg.scid  }
0x8b: {  	s0 =	sand.u32 $0x1, s1  }
0x8c: {  	s18 =	sshll.u32 s0, $0xA;
	s2 =	sadd.s32 s3, s2  }
0x8d: {  	s2 =	sadd.s32 s2, s18  }
0x8e: {  	[smem:$0x3FC6] =	sst s2  }
0x8f: {  	_ = 	snop  }
0x90: {  	s2 =	sld [smem:$0x3FC9]  }
0x91: {  	s19 =	sld [smem:$0x3FC8]  }
0x92: {  	s4 =	sld [smem:$0x3FD0];
	(tm) =	ssettm $0x1  }
0x93: {  	s5 =	sld [smem:$0x3FFB];
	_ =	sdelay $0x3  }
0x94: {  	_ =	strace s5  }
0x95: {  	s5 =	sld [smem:$0x3FFC];
	_ =	sdelay $0x3  }
0x96: {  	_ =	strace s5  }
0x97: {  	s5 =	sld [smem:$0x3FFD];
	_ =	sdelay $0x3  }
0x98: {  	_ =	strace s5  }
0x99: {  	_ =	strace $0x8FFFFFFF  }
0x9a: {  	s20 =	sld [smem:$0x3FDB];
	_ =	sdelay $0x1  }
0x9b: {  	s6 =	simm.s32 $_scs_section_size  }
0x9c: {  	s7 =	simm.s32 $_size__tile_overlayer_lowered;
	s8 =	simm.s32 $_tile_overlayer_lowered  }
0x9d: {  	s23 =	simm.s32 $0x1BFF;
	s22 =	sshll.u32 s8, $0x1;
	s5 =	sadd.s32 s6, s20  }
0x9e: {  	s9 =	simm.s32 $0x0;
	s21 =	sshll.u32 s7, $0x1;
	s7 =	sadd.s32 s22, s5  }
0x9f: {  	[timem:s9], [sflag:s23] =	dma.local [hbm:s7], s21  }
0xa0: {  	_ =	swait.ge [sflag:s23], s21  }
0xa1: {  	s6 =	ssub.s32 $0x0, s21;
	[sflag:s23] =	ssyncset.done $0x0  }
0xa2: {  	[sflag:s23] =	ssyncadd.s32 s6;
	_ =	sdelay $0x1  }
0xa3: {  	s24 =	simm.s32 $0x1B8B  }
0xa4: {  	_ =	swait.ge [sflag:s24], $0x1  }
0xa5: {  	[sflag:s24] =	ssyncset.done $0x0  }
0xa6: {  	s25 =	simm.s32 $0x1B8E;
	[sflag:s24] =	ssyncadd.s32 $0xFFFFFFFF  }
0xa7: {  	s26 =	simm.s32 $execute0_lowered;
	[smem:$0x3FD2] =	sst s25  }
0xa8: {  	s6 =	sshll.u32 s26, $0x1;
	_ =	strace $0x80000046;
	[dreg:$0x1] =	wrdreg $0xFFFFFFFF  }
0xa9: {  	s28 =	simm.s32 $_size_execute0_lowered;
	s5 =	sadd.s32 s5, s6;
	[dreg:$0x0] =	wrdreg $0x0  }
0xaa: {  	s6 =	sshll.u32 s28, $0x1;
	[dreg:$0x2] =	wrdreg s5  }
0xab: {  	[dreg:$0x3] =	wrdreg s6  }
0xac: {  	[dreg:$0x4] =	wrdreg $0xC0  }
0xad: {  	_ =	task [dreg:s9], $0x5FFFF  }
0xae: {  	[dreg:$0x1] =	wrdreg $0xFFFFFFFF  }
0xaf: {  	[dreg:$0x0] =	wrdreg $0x60  }
0xb0: {  	[dreg:$0x2] =	wrdreg s2  }
0xb1: {  	[dreg:$0x3] =	wrdreg s19  }
0xb2: {  	[dreg:$0x4] =	wrdreg s4  }
0xb3: {  	[dreg:$0x5] =	wrdreg $0x9  }
0xb4: {  	_ =	task.clear_ibuf [dreg:s9], $0x6FFFF;
	_ =	strace $0x90000046  }
0xb5: {  	s29 =	simm.s32 $0x9;
	_ =	strace $0x80000048  }
0xb6: {  	_ =	swait.ge [sflag:s29], $0x1  }
0xb7: {  	[sflag:s29] =	ssyncadd.s32 $0xFFFFFFFF  }
0xb8: {  	_ =	strace $0x90000048  }
0xb9: {  	_ =	sfence  }
0xba: {  	s30 =	sld [smem:$0x0];
	_ =	sdelay $0x2  }
0xbb: {  	s31 =	sshll.u32 s1, $0xD;
	s1 =	sshrl.u32 s1, $0x2  }
0xbc: {  	s3 =	sand.u32 $0x4000, s31;
	s1 =	sadd.s32 s1, s30  }
0xbd: {  	s0 =	sor.u32 s3, s0;
	s1 =	sshll.u32 s1, $0x11  }
0xbe: {  	s0 =	sor.u32 s1, s0  }
0xbf: {  	s0 =	sadd.s32 $0x8F2B, s0  }
0xc0: {  	[sflag:s0] =	ssyncadd.remote.s32 $0x1  }
0xc1: {  	_ =	sfence.sel $0xFFFF  }
0xc2: {  	[dreg:$0x0] =	wrdreg $0xFFFFFFFF;
	(pc) =	sbr.abs _section_cstart, $3  }
0xc3: {  	[dreg:$0x1] =	wrdreg $0xFFFFFFFF  }
0xc4: {  	_ =	task.clear_ibuf [dreg:s9], $0x2FFFF;
	_ =	strace $0x9FFFFFFF  }
0xc5: {  	(tm) =	ssettm $0x7FFFFFFF  }
tec
execute0_lowered:
.L_overlay_start_1:
0x0: {  	(tag) =	ssettag $0x1  }
0x1: {  	s0 =	rddreg [dreg:$0x0]  }
0x2: {  	s1 =	rddreg [dreg:$0x1]  }
0x3: {  	s2 =	rddreg [dreg:$0x2];
	s4 =	srdreg.scid;
	s3 =	simm.s32 $0x0  }
0x4: {  	s10 =	stileid.u32;
	s4 =	sand.u32 $0x1, s4;
	[smem:$0x7FF] =	sst s3  }
0x5: {  	s6 =	sshll.u32 s10, $0x15;
	s8 =	sshll.u32 s10, $0xD;
	s5 =	sshll.u32 s4, $0x19  }
0x6: {  	_ =	strace $0x80000047;
	s4 =	ssub.s32 $0x2, s4;
	s9 =	sadd.s32 s0, s8  }
0x7: {  	s20 =	sor.u32 $0x400, s8;
	s21 =	sadd.s32 s1, s8;
	[dreg:$0x4] =	wrdreg s9  }
0x8: {  	s23 =	sor.u32 $0x800, s8;
	[dreg:$0x5] =	wrdreg s21;
	s22 =	sadd.s32 s0, s20  }
0x9: {  	s24 =	sor.u32 $0xC00, s8;
	s11 =	sadd.s32 s0, s23;
	[dreg:$0x6] =	wrdreg s22  }
0xa: {  	s12 =	sor.u32 $0x1400, s8;
	s25 =	sadd.s32 s0, s24;
	[dreg:$0x8] =	wrdreg s11  }
0xb: {  	s16 =	sor.u32 $0x1800, s8;
	s26 =	sadd.s32 s1, s24;
	[dreg:$0xa] =	wrdreg s25  }
0xc: {  	s6 =	sor.u32 s6, s5;
	s14 =	sadd.s32 s0, s12;
	[dreg:$0xb] =	wrdreg s26  }
0xd: {  	s7 =	sshrl.u32 s4, $0x1;
	s15 =	sadd.s32 s1, s12;
	[dreg:$0xe] =	wrdreg s14  }
0xe: {  	s9 =	sor.u32 $0x1000, s8;
	s17 =	sadd.s32 s0, s16;
	[dreg:$0xf] =	wrdreg s15  }
0xf: {  	s8 =	sor.u32 $0x1C00, s8;
	s13 =	sadd.s32 s0, s9;
	[dreg:$0x10] =	wrdreg s17  }
0x10: {  	s6 =	sshrl.u32 s6, $0x3;
	s0 =	sadd.s32 s0, s8;
	[dreg:$0xc] =	wrdreg s13  }
0x11: {  	s7 =	ssub.s32 s4, s7;
	s18 =	sadd.s32 s1, s8;
	[dreg:$0x12] =	wrdreg s0  }
0x12: {  	s4 =	sadd.s32 s2, s6;
	s6 =	sadd.s32 s1, s20;
	[dreg:$0x13] =	wrdreg s18  }
0x13: {  	s19 =	smax.u32 s7, $0x1;
	[dreg:$0x7] =	wrdreg s6  }
0x14: {  	s6 =	sadd.s32 s1, s23;
	[dreg:$0x14] =	wrdreg s19  }
0x15: {  	s21 =	sadd.s32 $0x1000, s4;
	[dreg:$0x9] =	wrdreg s6  }
0x16: {  	s22 =	sadd.s32 $0x2000, s4;
	[dreg:$0x15] =	wrdreg s21  }
0x17: {  	s7 =	sadd.s32 $0x5000, s4;
	[dreg:$0x16] =	wrdreg s22  }
0x18: {  	s8 =	sadd.s32 $0x6000, s4;
	[dreg:$0x19] =	wrdreg s7  }
0x19: {  	s20 =	sshll.u32 s10, $0x14;
	s10 =	sadd.s32 $0x8000, s4;
	[dreg:$0x1a] =	wrdreg s8  }
0x1a: {  	s12 =	sor.u32 $0x4000000, s20;
	s11 =	sadd.s32 $0x9000, s4;
	[dreg:$0x1c] =	wrdreg s10  }
0x1b: {  	s23 =	sor.u32 $0x4020000, s20;
	s13 =	sadd.s32 $0xA000, s4;
	[dreg:$0x1d] =	wrdreg s11  }
0x1c: {  	s24 =	sor.u32 $0x4040000, s20;
	s14 =	sadd.s32 $0xB000, s4;
	[dreg:$0x1e] =	wrdreg s13  }
0x1d: {  	s25 =	sor.u32 $0x4060000, s20;
	s15 =	sadd.s32 $0xC000, s4;
	[dreg:$0x1f] =	wrdreg s14  }
0x1e: {  	s26 =	sor.u32 $0x4080000, s20;
	s17 =	sadd.s32 $0xE000, s4;
	[smem:$0x7D5] =	sst s15  }
0x1f: {  	s28 =	sor.u32 $0x40A0000, s20;
	s18 =	sadd.s32 $0xF000, s4;
	[smem:$0x7D7] =	sst s17  }
0x20: {  	s29 =	sor.u32 $0x40C0000, s20;
	s19 =	sadd.s32 $0x10000, s4;
	[smem:$0x7D8] =	sst s18  }
0x21: {  	s30 =	sor.u32 $0x40E0000, s20;
	s20 =	sadd.s32 $0x11000, s4;
	[smem:$0x7D9] =	sst s19  }
0x22: {  	s6 =	sadd.s32 s1, s9;
	[smem:$0x7DA] =	sst s20  }
0x23: {  	s9 =	sadd.s32 $0x7000, s4;
	[dreg:$0xd] =	wrdreg s6  }
0x24: {  	s21 =	sadd.s32 $0x12000, s4;
	[dreg:$0x1b] =	wrdreg s9  }
0x25: {  	s22 =	sadd.s32 $0x13000, s4;
	[smem:$0x7DB] =	sst s21  }
0x26: {  	s7 =	sadd.s32 $0x16000, s4;
	[smem:$0x7DC] =	sst s22  }
0x27: {  	s8 =	sadd.s32 $0x17000, s4;
	[smem:$0x7DF] =	sst s7  }
0x28: {  	s10 =	sadd.s32 $0x19000, s4;
	[smem:$0x7E0] =	sst s8  }
0x29: {  	s11 =	sadd.s32 $0x1A000, s4;
	[smem:$0x7E2] =	sst s10  }
0x2a: {  	s13 =	sadd.s32 $0x1B000, s4;
	[smem:$0x7E3] =	sst s11  }
0x2b: {  	s14 =	sadd.s32 $0x1C000, s4;
	[smem:$0x7E4] =	sst s13  }
0x2c: {  	s15 =	sadd.s32 $0x1D000, s4;
	[smem:$0x7E5] =	sst s14  }
0x2d: {  	s17 =	sadd.s32 $0x1F000, s4;
	[smem:$0x7E6] =	sst s15  }
0x2e: {  	s18 =	sadd.s32 $0x20000, s4;
	[smem:$0x7E8] =	sst s17  }
0x2f: {  	s19 =	sadd.s32 $0x21000, s4;
	[smem:$0x7E9] =	sst s18  }
0x30: {  	s20 =	sadd.s32 $0x22000, s4;
	[smem:$0x7EA] =	sst s19  }
0x31: {  	s6 =	sadd.s32 s1, s16;
	[smem:$0x7EB] =	sst s20  }
0x32: {  	s1 =	sadd.s32 $0x3000, s4;
	[dreg:$0x11] =	wrdreg s6  }
0x33: {  	s16 =	sadd.s32 $0xD000, s4;
	[dreg:$0x17] =	wrdreg s1  }
0x34: {  	s9 =	sadd.s32 $0x18000, s4;
	[smem:$0x7D6] =	sst s16  }
0x35: {  	s21 =	sadd.s32 $0x23000, s4;
	[smem:$0x7E1] =	sst s9  }
0x36: {  	s22 =	sadd.s32 $0x24000, s4;
	[smem:$0x7EC] =	sst s21  }
0x37: {  	s7 =	sadd.s32 $0x27000, s4;
	[smem:$0x7ED] =	sst s22  }
0x38: {  	s8 =	sadd.s32 $0x28000, s4;
	[smem:$0x7F0] =	sst s7  }
0x39: {  	s10 =	sadd.s32 $0x2A000, s4;
	[smem:$0x7F1] =	sst s8  }
0x3a: {  	s11 =	sadd.s32 $0x2B000, s4;
	[smem:$0x7F3] =	sst s10  }
0x3b: {  	s13 =	sadd.s32 $0x2C000, s4;
	[smem:$0x7F4] =	sst s11  }
0x3c: {  	s14 =	sadd.s32 $0x2D000, s4;
	[smem:$0x7F5] =	sst s13  }
0x3d: {  	s15 =	sadd.s32 $0x2E000, s4;
	[smem:$0x7F6] =	sst s14  }
0x3e: {  	s31 =	sadd.s32 $0x3D000, s4;
	s17 =	sadd.s32 $0x30000, s4;
	[smem:$0x7F7] =	sst s15  }
0x3f: {  	s0 =	sadd.s32 $0x3E000, s4;
	s18 =	sadd.s32 $0x31000, s4;
	[smem:$0x7F9] =	sst s17  }
0x40: {  	s19 =	sadd.s32 $0x32000, s4;
	s20 =	sadd.s32 $0x33000, s4;
	[smem:$0x7FA] =	sst s18  }
0x41: {  	s6 =	sadd.s32 $0x4000, s4;
	s1 =	sadd.s32 $0x14000, s4;
	[smem:$0x7FB] =	sst s19  }
0x42: {  	s16 =	sadd.s32 $0x1E000, s4;
	s9 =	sadd.s32 $0x29000, s4;
	[smem:$0x7FC] =	sst s20  }
0x43: {  	s21 =	sadd.s32 $0x34000, s4;
	s14 =	sadd.s32 $0x35000, s4;
	s15 =	sadd.s32 $0x36000, s4  }
0x44: {  	s17 =	sadd.s32 $0x38000, s4;
	s18 =	sadd.s32 $0x39000, s4;
	[dreg:$0x18] =	wrdreg s6  }
0x45: {  	s19 =	sadd.s32 $0x3A000, s4;
	s20 =	sadd.s32 $0x3B000, s4;
	[smem:$0x7DD] =	sst s1  }
0x46: {  	v0 =	vmov s5;
	s22 =	sadd.s32 $0x2000000, s5;
	s5 =	simm.s32 $0x1;
	[smem:$0x7E7] =	sst s16  }
0x47: {  	s7 =	simm.s32 $0x3;
	s8 =	simm.s32 $0xA000;
	[smem:$0x7F2] =	sst s9  }
0x48: {  	s10 =	simm.s32 $0x2;
	s6 =	sadd.s32 $0x15000, s4;
	[smem:$0x7FD] =	sst s21  }
0x49: {  	s1 =	sadd.s32 $0x25000, s4;
	s16 =	sadd.s32 $0x2F000, s4;
	[smem:$0x7DE] =	sst s6  }
0x4a: {  	s21 =	sadd.s32 $0x3C000, s4;
	s9 =	simm.s32 $0x2000;
	[smem:$0x7EE] =	sst s1  }
0x4b: {  	v3 =	vlaneseq.u32;
	s6 =	sadd.s32 $0x26000, s4;
	[smem:$0x7F8] =	sst s16;
	s16 =	sadd.s32 $0x37000, s4  }
0x4c: {  	v2 =	vimm.f32 $0.0e+00;
	v3 =	vmul.u32 $0x10, v3;
	v1 =	vmov s22;
	s1 =	sadd.s32 $0x3F000, s4;
	[smem:$0x7EF] =	sst s6;
	s6 =	simm.s32 $0x8000  }
.LBB2_1:
0x4d: {  	s11 =	simm.s32 $0x40;
	s13 =	simm.s32 $0x0  }
.LBB2_2:
0x4e: {  	p0 =	sne.s32 s11, $0x1FFC0;
	[tilespmem:s13+$0x0] =	vst v2;
	s13 =	smov.u32 s11;
	s11 =	sadd.s32 $0x40, s11  }
.Ltmp0:
0x4f: {  	(pc) =	sbr.rel @p0 .LBB2_2-.Ltmp0, $2  }
0x50: {  	_ =	sdelay $0x2  }
0x51: {  	s13 =	sshra.s32 s13, $0x2  }
0x52: {  	[tilespmem:s13+$0x0] =	vst v2;
	s11 =	simm.s32 $0x0  }
0x53: {  	[hbm4b:s4+s11] =	stream.linear.scatter [tilespmem:s11], [sflag:$0x1], $0x8000, $0x38;
	[tilespmem:$0xC000] =	vst v63  }
0x54: {  	s22 =	rddreg [dreg:$0x15]  }
0x55: {  	[hbm4b:s22+s11] =	stream.linear.scatter [tilespmem:s11], [sflag:$0x1], $0x8000, $0x38;
	[tilespmem:$0xC000] =	vst v63  }
0x56: {  	s22 =	rddreg [dreg:$0x16]  }
0x57: {  	[hbm4b:s22+s11] =	stream.linear.scatter [tilespmem:s11], [sflag:$0x1], $0x8000, $0x38;
	[tilespmem:$0xC000] =	vst v63  }
0x58: {  	s22 =	rddreg [dreg:$0x17]  }
0x59: {  	[hbm4b:s22+s11] =	stream.linear.scatter [tilespmem:s11], [sflag:$0x1], $0x8000, $0x38;
	[tilespmem:$0xC000] =	vst v63  }
0x5a: {  	_ =	swait.ge [sflag:s5], $0x8000  }
0x5b: {  	[sflag:s5] =	ssyncset.done $0x0  }
0x5c: {  	[sflag:s5] =	ssyncadd.s32 $0xFFFF8000  }
0x5d: {  	_ =	swait.ge [sflag:s5], $0x8000  }
0x5e: {  	[sflag:s5] =	ssyncset.done $0x0  }
0x5f: {  	[sflag:s5] =	ssyncadd.s32 $0xFFFF8000  }
0x60: {  	_ =	swait.ge [sflag:s5], $0x8000  }
0x61: {  	[sflag:s5] =	ssyncset.done $0x0  }
0x62: {  	[sflag:s5] =	ssyncadd.s32 $0xFFFF8000  }
0x63: {  	_ =	swait.ge [sflag:s5], $0x8000  }
0x64: {  	[sflag:s5] =	ssyncset.done $0x0  }
0x65: {  	s22 =	rddreg [dreg:$0x18];
	[sflag:s5] =	ssyncadd.s32 $0xFFFF8000  }
0x66: {  	[hbm4b:s22+s11] =	stream.linear.scatter [tilespmem:s11], [sflag:$0x1], $0x8000, $0x38;
	[tilespmem:$0xC000] =	vst v63  }
0x67: {  	s22 =	rddreg [dreg:$0x19]  }
0x68: {  	[hbm4b:s22+s11] =	stream.linear.scatter [tilespmem:s11], [sflag:$0x1], $0x8000, $0x38;
	[tilespmem:$0xC000] =	vst v63  }
0x69: {  	s22 =	rddreg [dreg:$0x1a]  }
0x6a: {  	[hbm4b:s22+s11] =	stream.linear.scatter [tilespmem:s11], [sflag:$0x1], $0x8000, $0x38;
	[tilespmem:$0xC000] =	vst v63  }
0x6b: {  	s22 =	rddreg [dreg:$0x1b]  }
0x6c: {  	[hbm4b:s22+s11] =	stream.linear.scatter [tilespmem:s11], [sflag:$0x1], $0x8000, $0x38;
	[tilespmem:$0xC000] =	vst v63  }
0x6d: {  	_ =	swait.ge [sflag:s5], $0x8000  }
0x6e: {  	[sflag:s5] =	ssyncset.done $0x0  }
0x6f: {  	[sflag:s5] =	ssyncadd.s32 $0xFFFF8000  }
0x70: {  	_ =	swait.ge [sflag:s5], $0x8000  }
0x71: {  	[sflag:s5] =	ssyncset.done $0x0  }
0x72: {  	[sflag:s5] =	ssyncadd.s32 $0xFFFF8000  }
0x73: {  	_ =	swait.ge [sflag:s5], $0x8000  }
0x74: {  	[sflag:s5] =	ssyncset.done $0x0  }
0x75: {  	[sflag:s5] =	ssyncadd.s32 $0xFFFF8000  }
0x76: {  	_ =	swait.ge [sflag:s5], $0x8000  }
0x77: {  	[sflag:s5] =	ssyncset.done $0x0  }
0x78: {  	s22 =	rddreg [dreg:$0x1c];
	[sflag:s5] =	ssyncadd.s32 $0xFFFF8000  }
0x79: {  	[hbm4b:s22+s11] =	stream.linear.scatter [tilespmem:s11], [sflag:$0x1], $0x8000, $0x38;
	[tilespmem:$0xC000] =	vst v63  }
0x7a: {  	s22 =	rddreg [dreg:$0x1d]  }
0x7b: {  	[hbm4b:s22+s11] =	stream.linear.scatter [tilespmem:s11], [sflag:$0x1], $0x8000, $0x38;
	[tilespmem:$0xC000] =	vst v63  }
0x7c: {  	s22 =	rddreg [dreg:$0x1e]  }
0x7d: {  	[hbm4b:s22+s11] =	stream.linear.scatter [tilespmem:s11], [sflag:$0x1], $0x8000, $0x38;
	[tilespmem:$0xC000] =	vst v63  }
0x7e: {  	s22 =	rddreg [dreg:$0x1f]  }
0x7f: {  	[hbm4b:s22+s11] =	stream.linear.scatter [tilespmem:s11], [sflag:$0x1], $0x8000, $0x38;
	[tilespmem:$0xC000] =	vst v63  }
0x80: {  	_ =	swait.ge [sflag:s5], $0x8000  }
0x81: {  	[sflag:s5] =	ssyncset.done $0x0  }
0x82: {  	[sflag:s5] =	ssyncadd.s32 $0xFFFF8000  }
0x83: {  	_ =	swait.ge [sflag:s5], $0x8000  }
0x84: {  	[sflag:s5] =	ssyncset.done $0x0  }
0x85: {  	[sflag:s5] =	ssyncadd.s32 $0xFFFF8000  }
0x86: {  	_ =	swait.ge [sflag:s5], $0x8000  }
0x87: {  	[sflag:s5] =	ssyncset.done $0x0  }
0x88: {  	[sflag:s5] =	ssyncadd.s32 $0xFFFF8000  }
0x89: {  	_ =	swait.ge [sflag:s5], $0x8000  }
0x8a: {  	s22 =	sld [smem:$0x7D5]  }
0x8b: {  	[sflag:s5] =	ssyncset.done $0x0  }
0x8c: {  	[sflag:s5] =	ssyncadd.s32 $0xFFFF8000  }
0x8d: {  	[hbm4b:s22+s11] =	stream.linear.scatter [tilespmem:s11], [sflag:$0x1], $0x8000, $0x38;
	[tilespmem:$0xC000] =	vst v63  }
0x8e: {  	s22 =	sld [smem:$0x7D6];
	_ =	sdelay $0x2  }
0x8f: {  	[hbm4b:s22+s11] =	stream.linear.scatter [tilespmem:s11], [sflag:$0x1], $0x8000, $0x38;
	[tilespmem:$0xC000] =	vst v63  }
0x90: {  	s22 =	sld [smem:$0x7D7];
	_ =	sdelay $0x2  }
0x91: {  	[hbm4b:s22+s11] =	stream.linear.scatter [tilespmem:s11], [sflag:$0x1], $0x8000, $0x38;
	[tilespmem:$0xC000] =	vst v63  }
0x92: {  	s22 =	sld [smem:$0x7D8];
	_ =	sdelay $0x2  }
0x93: {  	[hbm4b:s22+s11] =	stream.linear.scatter [tilespmem:s11], [sflag:$0x1], $0x8000, $0x38;
	[tilespmem:$0xC000] =	vst v63  }
0x94: {  	_ =	swait.ge [sflag:s5], $0x8000  }
0x95: {  	[sflag:s5] =	ssyncset.done $0x0  }
0x96: {  	[sflag:s5] =	ssyncadd.s32 $0xFFFF8000  }
0x97: {  	_ =	swait.ge [sflag:s5], $0x8000  }
0x98: {  	[sflag:s5] =	ssyncset.done $0x0  }
0x99: {  	[sflag:s5] =	ssyncadd.s32 $0xFFFF8000  }
0x9a: {  	_ =	swait.ge [sflag:s5], $0x8000  }
0x9b: {  	[sflag:s5] =	ssyncset.done $0x0  }
0x9c: {  	[sflag:s5] =	ssyncadd.s32 $0xFFFF8000  }
0x9d: {  	_ =	swait.ge [sflag:s5], $0x8000  }
0x9e: {  	s22 =	sld [smem:$0x7D9]  }
0x9f: {  	[sflag:s5] =	ssyncset.done $0x0  }
0xa0: {  	[sflag:s5] =	ssyncadd.s32 $0xFFFF8000  }
0xa1: {  	[hbm4b:s22+s11] =	stream.linear.scatter [tilespmem:s11], [sflag:$0x1], $0x8000, $0x38;
	[tilespmem:$0xC000] =	vst v63  }
0xa2: {  	s22 =	sld [smem:$0x7DA];
	_ =	sdelay $0x2  }
0xa3: {  	[hbm4b:s22+s11] =	stream.linear.scatter [tilespmem:s11], [sflag:$0x1], $0x8000, $0x38;
	[tilespmem:$0xC000] =	vst v63  }
0xa4: {  	s22 =	sld [smem:$0x7DB];
	_ =	sdelay $0x2  }
0xa5: {  	[hbm4b:s22+s11] =	stream.linear.scatter [tilespmem:s11], [sflag:$0x1], $0x8000, $0x38;
	[tilespmem:$0xC000] =	vst v63  }
0xa6: {  	s22 =	sld [smem:$0x7DC];
	_ =	sdelay $0x2  }
0xa7: {  	[hbm4b:s22+s11] =	stream.linear.scatter [tilespmem:s11], [sflag:$0x1], $0x8000, $0x38;
	[tilespmem:$0xC000] =	vst v63  }
0xa8: {  	_ =	swait.ge [sflag:s5], $0x8000  }
0xa9: {  	[sflag:s5] =	ssyncset.done $0x0  }
0xaa: {  	[sflag:s5] =	ssyncadd.s32 $0xFFFF8000  }
0xab: {  	_ =	swait.ge [sflag:s5], $0x8000  }
0xac: {  	[sflag:s5] =	ssyncset.done $0x0  }
0xad: {  	[sflag:s5] =	ssyncadd.s32 $0xFFFF8000  }
0xae: {  	_ =	swait.ge [sflag:s5], $0x8000  }
0xaf: {  	[sflag:s5] =	ssyncset.done $0x0  }
0xb0: {  	[sflag:s5] =	ssyncadd.s32 $0xFFFF8000  }
0xb1: {  	_ =	swait.ge [sflag:s5], $0x8000  }
0xb2: {  	s22 =	sld [smem:$0x7DD]  }
0xb3: {  	[sflag:s5] =	ssyncset.done $0x0  }
0xb4: {  	[sflag:s5] =	ssyncadd.s32 $0xFFFF8000  }
0xb5: {  	[hbm4b:s22+s11] =	stream.linear.scatter [tilespmem:s11], [sflag:$0x1], $0x8000, $0x38;
	[tilespmem:$0xC000] =	vst v63  }
0xb6: {  	s22 =	sld [smem:$0x7DE];
	_ =	sdelay $0x2  }
0xb7: {  	[hbm4b:s22+s11] =	stream.linear.scatter [tilespmem:s11], [sflag:$0x1], $0x8000, $0x38;
	[tilespmem:$0xC000] =	vst v63  }
0xb8: {  	s22 =	sld [smem:$0x7DF];
	_ =	sdelay $0x2  }
0xb9: {  	[hbm4b:s22+s11] =	stream.linear.scatter [tilespmem:s11], [sflag:$0x1], $0x8000, $0x38;
	[tilespmem:$0xC000] =	vst v63  }
0xba: {  	s22 =	sld [smem:$0x7E0];
	_ =	sdelay $0x2  }
0xbb: {  	[hbm4b:s22+s11] =	stream.linear.scatter [tilespmem:s11], [sflag:$0x1], $0x8000, $0x38;
	[tilespmem:$0xC000] =	vst v63  }
0xbc: {  	_ =	swait.ge [sflag:s5], $0x8000  }
0xbd: {  	[sflag:s5] =	ssyncset.done $0x0  }
0xbe: {  	[sflag:s5] =	ssyncadd.s32 $0xFFFF8000  }
0xbf: {  	_ =	swait.ge [sflag:s5], $0x8000  }
0xc0: {  	[sflag:s5] =	ssyncset.done $0x0  }
0xc1: {  	[sflag:s5] =	ssyncadd.s32 $0xFFFF8000  }
0xc2: {  	_ =	swait.ge [sflag:s5], $0x8000  }
0xc3: {  	[sflag:s5] =	ssyncset.done $0x0  }
0xc4: {  	[sflag:s5] =	ssyncadd.s32 $0xFFFF8000  }
0xc5: {  	_ =	swait.ge [sflag:s5], $0x8000  }
0xc6: {  	s22 =	sld [smem:$0x7E1]  }
0xc7: {  	[sflag:s5] =	ssyncset.done $0x0  }
0xc8: {  	[sflag:s5] =	ssyncadd.s32 $0xFFFF8000  }
0xc9: {  	[hbm4b:s22+s11] =	stream.linear.scatter [tilespmem:s11], [sflag:$0x1], $0x8000, $0x38;
	[tilespmem:$0xC000] =	vst v63  }
0xca: {  	s22 =	sld [smem:$0x7E2];
	_ =	sdelay $0x2  }
0xcb: {  	[hbm4b:s22+s11] =	stream.linear.scatter [tilespmem:s11], [sflag:$0x1], $0x8000, $0x38;
	[tilespmem:$0xC000] =	vst v63  }
0xcc: {  	s22 =	sld [smem:$0x7E3];
	_ =	sdelay $0x2  }
0xcd: {  	[hbm4b:s22+s11] =	stream.linear.scatter [tilespmem:s11], [sflag:$0x1], $0x8000, $0x38;
	[tilespmem:$0xC000] =	vst v63  }
0xce: {  	s22 =	sld [smem:$0x7E4];
	_ =	sdelay $0x2  }
0xcf: {  	[hbm4b:s22+s11] =	stream.linear.scatter [tilespmem:s11], [sflag:$0x1], $0x8000, $0x38;
	[tilespmem:$0xC000] =	vst v63  }
0xd0: {  	_ =	swait.ge [sflag:s5], $0x8000  }
0xd1: {  	[sflag:s5] =	ssyncset.done $0x0  }
0xd2: {  	[sflag:s5] =	ssyncadd.s32 $0xFFFF8000  }
0xd3: {  	_ =	swait.ge [sflag:s5], $0x8000  }
0xd4: {  	[sflag:s5] =	ssyncset.done $0x0  }
0xd5: {  	[sflag:s5] =	ssyncadd.s32 $0xFFFF8000  }
0xd6: {  	_ =	swait.ge [sflag:s5], $0x8000  }
0xd7: {  	[sflag:s5] =	ssyncset.done $0x0  }
0xd8: {  	[sflag:s5] =	ssyncadd.s32 $0xFFFF8000  }
0xd9: {  	_ =	swait.ge [sflag:s5], $0x8000  }
0xda: {  	s22 =	sld [smem:$0x7E5]  }
0xdb: {  	[sflag:s5] =	ssyncset.done $0x0  }
0xdc: {  	[sflag:s5] =	ssyncadd.s32 $0xFFFF8000  }
0xdd: {  	[hbm4b:s22+s11] =	stream.linear.scatter [tilespmem:s11], [sflag:$0x1], $0x8000, $0x38;
	[tilespmem:$0xC000] =	vst v63  }
0xde: {  	s22 =	sld [smem:$0x7E6];
	_ =	sdelay $0x2  }
0xdf: {  	[hbm4b:s22+s11] =	stream.linear.scatter [tilespmem:s11], [sflag:$0x1], $0x8000, $0x38;
	[tilespmem:$0xC000] =	vst v63  }
0xe0: {  	s22 =	sld [smem:$0x7E7];
	_ =	sdelay $0x2  }
0xe1: {  	[hbm4b:s22+s11] =	stream.linear.scatter [tilespmem:s11], [sflag:$0x1], $0x8000, $0x38;
	[tilespmem:$0xC000] =	vst v63  }
0xe2: {  	s22 =	sld [smem:$0x7E8];
	_ =	sdelay $0x2  }
0xe3: {  	[hbm4b:s22+s11] =	stream.linear.scatter [tilespmem:s11], [sflag:$0x1], $0x8000, $0x38;
	[tilespmem:$0xC000] =	vst v63  }
0xe4: {  	_ =	swait.ge [sflag:s5], $0x8000  }
0xe5: {  	[sflag:s5] =	ssyncset.done $0x0  }
0xe6: {  	[sflag:s5] =	ssyncadd.s32 $0xFFFF8000  }
0xe7: {  	_ =	swait.ge [sflag:s5], $0x8000  }
0xe8: {  	[sflag:s5] =	ssyncset.done $0x0  }
0xe9: {  	[sflag:s5] =	ssyncadd.s32 $0xFFFF8000  }
0xea: {  	_ =	swait.ge [sflag:s5], $0x8000  }
0xeb: {  	[sflag:s5] =	ssyncset.done $0x0  }
0xec: {  	[sflag:s5] =	ssyncadd.s32 $0xFFFF8000  }
0xed: {  	_ =	swait.ge [sflag:s5], $0x8000  }
0xee: {  	s22 =	sld [smem:$0x7E9]  }
0xef: {  	[sflag:s5] =	ssyncset.done $0x0  }
0xf0: {  	[sflag:s5] =	ssyncadd.s32 $0xFFFF8000  }
0xf1: {  	[hbm4b:s22+s11] =	stream.linear.scatter [tilespmem:s11], [sflag:$0x1], $0x8000, $0x38;
	[tilespmem:$0xC000] =	vst v63  }
0xf2: {  	s22 =	sld [smem:$0x7EA];
	_ =	sdelay $0x2  }
0xf3: {  	[hbm4b:s22+s11] =	stream.linear.scatter [tilespmem:s11], [sflag:$0x1], $0x8000, $0x38;
	[tilespmem:$0xC000] =	vst v63  }
0xf4: {  	s22 =	sld [smem:$0x7EB];
	_ =	sdelay $0x2  }
0xf5: {  	[hbm4b:s22+s11] =	stream.linear.scatter [tilespmem:s11], [sflag:$0x1], $0x8000, $0x38;
	[tilespmem:$0xC000] =	vst v63  }
0xf6: {  	s22 =	sld [smem:$0x7EC];
	_ =	sdelay $0x2  }
0xf7: {  	[hbm4b:s22+s11] =	stream.linear.scatter [tilespmem:s11], [sflag:$0x1], $0x8000, $0x38;
	[tilespmem:$0xC000] =	vst v63  }
0xf8: {  	_ =	swait.ge [sflag:s5], $0x8000  }
0xf9: {  	[sflag:s5] =	ssyncset.done $0x0  }
0xfa: {  	[sflag:s5] =	ssyncadd.s32 $0xFFFF8000  }
0xfb: {  	_ =	swait.ge [sflag:s5], $0x8000  }
0xfc: {  	[sflag:s5] =	ssyncset.done $0x0  }
0xfd: {  	[sflag:s5] =	ssyncadd.s32 $0xFFFF8000  }
0xfe: {  	_ =	swait.ge [sflag:s5], $0x8000  }
0xff: {  	[sflag:s5] =	ssyncset.done $0x0  }
0x100: {  	[sflag:s5] =	ssyncadd.s32 $0xFFFF8000  }
0x101: {  	_ =	swait.ge [sflag:s5], $0x8000  }
0x102: {  	s22 =	sld [smem:$0x7ED]  }
0x103: {  	[sflag:s5] =	ssyncset.done $0x0  }
0x104: {  	[sflag:s5] =	ssyncadd.s32 $0xFFFF8000  }
0x105: {  	[hbm4b:s22+s11] =	stream.linear.scatter [tilespmem:s11], [sflag:$0x1], $0x8000, $0x38;
	[tilespmem:$0xC000] =	vst v63  }
0x106: {  	s22 =	sld [smem:$0x7EE];
	_ =	sdelay $0x2  }
0x107: {  	[hbm4b:s22+s11] =	stream.linear.scatter [tilespmem:s11], [sflag:$0x1], $0x8000, $0x38;
	[tilespmem:$0xC000] =	vst v63  }
0x108: {  	s22 =	sld [smem:$0x7EF];
	_ =	sdelay $0x2  }
0x109: {  	[hbm4b:s22+s11] =	stream.linear.scatter [tilespmem:s11], [sflag:$0x1], $0x8000, $0x38;
	[tilespmem:$0xC000] =	vst v63  }
0x10a: {  	s22 =	sld [smem:$0x7F0];
	_ =	sdelay $0x2  }
0x10b: {  	[hbm4b:s22+s11] =	stream.linear.scatter [tilespmem:s11], [sflag:$0x1], $0x8000, $0x38;
	[tilespmem:$0xC000] =	vst v63  }
0x10c: {  	_ =	swait.ge [sflag:s5], $0x8000  }
0x10d: {  	[sflag:s5] =	ssyncset.done $0x0  }
0x10e: {  	[sflag:s5] =	ssyncadd.s32 $0xFFFF8000  }
0x10f: {  	_ =	swait.ge [sflag:s5], $0x8000  }
0x110: {  	[sflag:s5] =	ssyncset.done $0x0  }
0x111: {  	[sflag:s5] =	ssyncadd.s32 $0xFFFF8000  }
0x112: {  	_ =	swait.ge [sflag:s5], $0x8000  }
0x113: {  	[sflag:s5] =	ssyncset.done $0x0  }
0x114: {  	[sflag:s5] =	ssyncadd.s32 $0xFFFF8000  }
0x115: {  	_ =	swait.ge [sflag:s5], $0x8000  }
0x116: {  	s22 =	sld [smem:$0x7F1]  }
0x117: {  	[sflag:s5] =	ssyncset.done $0x0  }
0x118: {  	[sflag:s5] =	ssyncadd.s32 $0xFFFF8000  }
0x119: {  	[hbm4b:s22+s11] =	stream.linear.scatter [tilespmem:s11], [sflag:$0x1], $0x8000, $0x38;
	[tilespmem:$0xC000] =	vst v63  }
0x11a: {  	s22 =	sld [smem:$0x7F2];
	_ =	sdelay $0x2  }
0x11b: {  	[hbm4b:s22+s11] =	stream.linear.scatter [tilespmem:s11], [sflag:$0x1], $0x8000, $0x38;
	[tilespmem:$0xC000] =	vst v63  }
0x11c: {  	s22 =	sld [smem:$0x7F3];
	_ =	sdelay $0x2  }
0x11d: {  	[hbm4b:s22+s11] =	stream.linear.scatter [tilespmem:s11], [sflag:$0x1], $0x8000, $0x38;
	[tilespmem:$0xC000] =	vst v63  }
0x11e: {  	s22 =	sld [smem:$0x7F4];
	_ =	sdelay $0x2  }
0x11f: {  	[hbm4b:s22+s11] =	stream.linear.scatter [tilespmem:s11], [sflag:$0x1], $0x8000, $0x38;
	[tilespmem:$0xC000] =	vst v63  }
0x120: {  	_ =	swait.ge [sflag:s5], $0x8000  }
0x121: {  	[sflag:s5] =	ssyncset.done $0x0  }
0x122: {  	[sflag:s5] =	ssyncadd.s32 $0xFFFF8000  }
0x123: {  	_ =	swait.ge [sflag:s5], $0x8000  }
0x124: {  	[sflag:s5] =	ssyncset.done $0x0  }
0x125: {  	[sflag:s5] =	ssyncadd.s32 $0xFFFF8000  }
0x126: {  	_ =	swait.ge [sflag:s5], $0x8000  }
0x127: {  	[sflag:s5] =	ssyncset.done $0x0  }
0x128: {  	[sflag:s5] =	ssyncadd.s32 $0xFFFF8000  }
0x129: {  	_ =	swait.ge [sflag:s5], $0x8000  }
0x12a: {  	s22 =	sld [smem:$0x7F5]  }
0x12b: {  	[sflag:s5] =	ssyncset.done $0x0  }
0x12c: {  	[sflag:s5] =	ssyncadd.s32 $0xFFFF8000  }
0x12d: {  	[hbm4b:s22+s11] =	stream.linear.scatter [tilespmem:s11], [sflag:$0x1], $0x8000, $0x38;
	[tilespmem:$0xC000] =	vst v63  }
0x12e: {  	s22 =	sld [smem:$0x7F6];
	_ =	sdelay $0x2  }
0x12f: {  	[hbm4b:s22+s11] =	stream.linear.scatter [tilespmem:s11], [sflag:$0x1], $0x8000, $0x38;
	[tilespmem:$0xC000] =	vst v63  }
0x130: {  	s22 =	sld [smem:$0x7F7];
	_ =	sdelay $0x2  }
0x131: {  	[hbm4b:s22+s11] =	stream.linear.scatter [tilespmem:s11], [sflag:$0x1], $0x8000, $0x38;
	[tilespmem:$0xC000] =	vst v63  }
0x132: {  	s22 =	sld [smem:$0x7F8];
	_ =	sdelay $0x2  }
0x133: {  	[hbm4b:s22+s11] =	stream.linear.scatter [tilespmem:s11], [sflag:$0x1], $0x8000, $0x38;
	[tilespmem:$0xC000] =	vst v63  }
0x134: {  	_ =	swait.ge [sflag:s5], $0x8000  }
0x135: {  	[sflag:s5] =	ssyncset.done $0x0  }
0x136: {  	[sflag:s5] =	ssyncadd.s32 $0xFFFF8000  }
0x137: {  	_ =	swait.ge [sflag:s5], $0x8000  }
0x138: {  	[sflag:s5] =	ssyncset.done $0x0  }
0x139: {  	[sflag:s5] =	ssyncadd.s32 $0xFFFF8000  }
0x13a: {  	_ =	swait.ge [sflag:s5], $0x8000  }
0x13b: {  	[sflag:s5] =	ssyncset.done $0x0  }
0x13c: {  	[sflag:s5] =	ssyncadd.s32 $0xFFFF8000  }
0x13d: {  	_ =	swait.ge [sflag:s5], $0x8000  }
0x13e: {  	s22 =	sld [smem:$0x7F9]  }
0x13f: {  	[sflag:s5] =	ssyncset.done $0x0  }
0x140: {  	[sflag:s5] =	ssyncadd.s32 $0xFFFF8000  }
0x141: {  	[hbm4b:s22+s11] =	stream.linear.scatter [tilespmem:s11], [sflag:$0x1], $0x8000, $0x38;
	[tilespmem:$0xC000] =	vst v63  }
0x142: {  	s22 =	sld [smem:$0x7FA];
	_ =	sdelay $0x2  }
0x143: {  	[hbm4b:s22+s11] =	stream.linear.scatter [tilespmem:s11], [sflag:$0x1], $0x8000, $0x38;
	[tilespmem:$0xC000] =	vst v63  }
0x144: {  	s22 =	sld [smem:$0x7FB];
	_ =	sdelay $0x2  }
0x145: {  	[hbm4b:s22+s11] =	stream.linear.scatter [tilespmem:s11], [sflag:$0x1], $0x8000, $0x38;
	[tilespmem:$0xC000] =	vst v63  }
0x146: {  	s22 =	sld [smem:$0x7FC];
	_ =	sdelay $0x2  }
0x147: {  	[hbm4b:s22+s11] =	stream.linear.scatter [tilespmem:s11], [sflag:$0x1], $0x8000, $0x38;
	[tilespmem:$0xC000] =	vst v63  }
0x148: {  	_ =	swait.ge [sflag:s5], $0x8000  }
0x149: {  	[sflag:s5] =	ssyncset.done $0x0  }
0x14a: {  	[sflag:s5] =	ssyncadd.s32 $0xFFFF8000  }
0x14b: {  	_ =	swait.ge [sflag:s5], $0x8000  }
0x14c: {  	[sflag:s5] =	ssyncset.done $0x0  }
0x14d: {  	[sflag:s5] =	ssyncadd.s32 $0xFFFF8000  }
0x14e: {  	_ =	swait.ge [sflag:s5], $0x8000  }
0x14f: {  	[sflag:s5] =	ssyncset.done $0x0  }
0x150: {  	[sflag:s5] =	ssyncadd.s32 $0xFFFF8000  }
0x151: {  	_ =	swait.ge [sflag:s5], $0x8000  }
0x152: {  	s22 =	sld [smem:$0x7FD]  }
0x153: {  	[sflag:s5] =	ssyncset.done $0x0  }
0x154: {  	[sflag:s5] =	ssyncadd.s32 $0xFFFF8000  }
0x155: {  	[hbm4b:s22+s11] =	stream.linear.scatter [tilespmem:s11], [sflag:$0x1], $0x8000, $0x38;
	[tilespmem:$0xC000] =	vst v63  }
0x156: {  	_ = 	snop  }
0x157: {  	[hbm4b:s14+s11] =	stream.linear.scatter [tilespmem:s11], [sflag:$0x1], $0x8000, $0x38;
	[tilespmem:$0xC000] =	vst v63  }
0x158: {  	_ = 	snop  }
0x159: {  	[hbm4b:s15+s11] =	stream.linear.scatter [tilespmem:s11], [sflag:$0x1], $0x8000, $0x38;
	[tilespmem:$0xC000] =	vst v63  }
0x15a: {  	_ = 	snop  }
0x15b: {  	[hbm4b:s16+s11] =	stream.linear.scatter [tilespmem:s11], [sflag:$0x1], $0x8000, $0x38;
	[tilespmem:$0xC000] =	vst v63  }
0x15c: {  	_ =	swait.ge [sflag:s5], $0x8000  }
0x15d: {  	[sflag:s5] =	ssyncset.done $0x0  }
0x15e: {  	[sflag:s5] =	ssyncadd.s32 $0xFFFF8000  }
0x15f: {  	_ =	swait.ge [sflag:s5], $0x8000  }
0x160: {  	[sflag:s5] =	ssyncset.done $0x0  }
0x161: {  	[sflag:s5] =	ssyncadd.s32 $0xFFFF8000  }
0x162: {  	_ =	swait.ge [sflag:s5], $0x8000  }
0x163: {  	[sflag:s5] =	ssyncset.done $0x0  }
0x164: {  	[sflag:s5] =	ssyncadd.s32 $0xFFFF8000  }
0x165: {  	_ =	swait.ge [sflag:s5], $0x8000  }
0x166: {  	[sflag:s5] =	ssyncset.done $0x0  }
0x167: {  	[sflag:s5] =	ssyncadd.s32 $0xFFFF8000  }
0x168: {  	[hbm4b:s17+s11] =	stream.linear.scatter [tilespmem:s11], [sflag:$0x1], $0x8000, $0x38;
	[tilespmem:$0xC000] =	vst v63  }
0x169: {  	_ = 	snop  }
0x16a: {  	[hbm4b:s18+s11] =	stream.linear.scatter [tilespmem:s11], [sflag:$0x1], $0x8000, $0x38;
	[tilespmem:$0xC000] =	vst v63  }
0x16b: {  	_ = 	snop  }
0x16c: {  	[hbm4b:s19+s11] =	stream.linear.scatter [tilespmem:s11], [sflag:$0x1], $0x8000, $0x38;
	[tilespmem:$0xC000] =	vst v63  }
0x16d: {  	_ = 	snop  }
0x16e: {  	[hbm4b:s20+s11] =	stream.linear.scatter [tilespmem:s11], [sflag:$0x1], $0x8000, $0x38;
	[tilespmem:$0xC000] =	vst v63  }
0x16f: {  	_ =	swait.ge [sflag:s5], $0x8000  }
0x170: {  	[sflag:s5] =	ssyncset.done $0x0  }
0x171: {  	[sflag:s5] =	ssyncadd.s32 $0xFFFF8000  }
0x172: {  	_ =	swait.ge [sflag:s5], $0x8000  }
0x173: {  	[sflag:s5] =	ssyncset.done $0x0  }
0x174: {  	[sflag:s5] =	ssyncadd.s32 $0xFFFF8000  }
0x175: {  	_ =	swait.ge [sflag:s5], $0x8000  }
0x176: {  	[sflag:s5] =	ssyncset.done $0x0  }
0x177: {  	[sflag:s5] =	ssyncadd.s32 $0xFFFF8000  }
0x178: {  	_ =	swait.ge [sflag:s5], $0x8000  }
0x179: {  	[sflag:s5] =	ssyncset.done $0x0  }
0x17a: {  	[sflag:s5] =	ssyncadd.s32 $0xFFFF8000  }
0x17b: {  	[hbm4b:s21+s11] =	stream.linear.scatter [tilespmem:s11], [sflag:$0x1], $0x8000, $0x38;
	[tilespmem:$0xC000] =	vst v63  }
0x17c: {  	_ = 	snop  }
0x17d: {  	[hbm4b:s31+s11] =	stream.linear.scatter [tilespmem:s11], [sflag:$0x1], $0x8000, $0x38;
	[tilespmem:$0xC000] =	vst v63  }
0x17e: {  	_ = 	snop  }
0x17f: {  	[hbm4b:s0+s11] =	stream.linear.scatter [tilespmem:s11], [sflag:$0x1], $0x8000, $0x38;
	[tilespmem:$0xC000] =	vst v63  }
0x180: {  	_ = 	snop  }
0x181: {  	[hbm4b:s1+s11] =	stream.linear.scatter [tilespmem:s11], [sflag:$0x1], $0x8000, $0x38;
	[tilespmem:$0xC000] =	vst v63  }
0x182: {  	_ =	swait.ge [sflag:s5], $0x8000  }
0x183: {  	[sflag:s5] =	ssyncset.done $0x0  }
0x184: {  	[sflag:s5] =	ssyncadd.s32 $0xFFFF8000  }
0x185: {  	_ =	swait.ge [sflag:s5], $0x8000  }
0x186: {  	[sflag:s5] =	ssyncset.done $0x0  }
0x187: {  	[sflag:s5] =	ssyncadd.s32 $0xFFFF8000  }
0x188: {  	_ =	swait.ge [sflag:s5], $0x8000  }
0x189: {  	[sflag:s5] =	ssyncset.done $0x0  }
0x18a: {  	[sflag:s5] =	ssyncadd.s32 $0xFFFF8000  }
0x18b: {  	_ =	swait.ge [sflag:s5], $0x8000  }
0x18c: {  	[sflag:s5] =	ssyncset.done $0x0  }
0x18d: {  	[sflag:s5] =	ssyncadd.s32 $0xFFFF8000  }
0x18e: {  	[bflag:$0x0] =	sbarrier.arrive $0xFFFF  }
0x18f: {  	s22 =	rddreg [dreg:$0x4]  }
0x190: {  	[tilespmem:s6], [sflag:$0x3] =	stream.linear.gather [hbm4b:s22+s11], $0x2000, $0x38;
	[tilespmem:$0xC000] =	vst v63  }
0x191: {  	_ =	swait.ge [sflag:s7], $0x2000  }
0x192: {  	[sflag:s7] =	ssyncset.done $0x0  }
0x193: {  	s22 =	rddreg [dreg:$0x5];
	[sflag:s7] =	ssyncadd.s32 $0xFFFFE000  }
0x194: {  	[tilespmem:s8], [sflag:$0x3] =	stream.linear.gather [hbm4b:s22+s11], $0x2000, $0x38;
	[tilespmem:$0xC000] =	vst v63  }
0x195: {  	_ =	swait.ge [sflag:s7], $0x2000  }
0x196: {  	[sflag:s7] =	ssyncset.done $0x0  }
0x197: {  	s22 =	simm.s32 $0x0;
	[sflag:s7] =	ssyncadd.s32 $0xFFFFE000  }
0x198: {  	v4 =	vld [tilespmem:s22+$0x8000];
	_ =	sdelay $0x4  }
0x199: {  	vm0 =	vge.s32 v4, v0;
	vm1 =	vlt.s32 v4, v1  }
0x19a: {  	v5 =	vor.u32 s12, v3;
	vm0 =	vmand vm0, vm1  }
0x19b: {  	v4 =	vsel vm0, v4, v5  }
0x19c: {  	s13 =	simm.s32 $0x80;
	s11 =	simm.s32 $0x10;
	[tilespmem:s22+$0x8000] =	vst v4;
	s22 =	smov.u32 s12  }
.LBB2_4:
0x19d: {  	p0 =	sne.s32 s13, $0x7FC0;
	v4 =	vld [tilespmem:s11+$0x8000];
	_ =	sdelay $0x3  }
.Ltmp1:
0x19e: {  	(pc) =	sbr.rel @p0 .LBB2_4-.Ltmp1, $4  }
0x19f: {  	s22 =	sadd.s32 $0x100, s22;
	vm0 =	vge.s32 v4, v0;
	vm1 =	vlt.s32 v4, v1  }
0x1a0: {  	v5 =	vor.u32 s22, v3;
	vm0 =	vmand vm0, vm1  }
0x1a1: {  	v4 =	vsel vm0, v4, v5  }
0x1a2: {  	[tilespmem:s11+$0x8000] =	vst v4;
	s11 =	sshra.s32 s13, $0x2;
	s13 =	sadd.s32 $0x40, s13  }
0x1a3: {  	v4 =	vld [tilespmem:s11+$0x8000];
	_ =	sdelay $0x4  }
0x1a4: {  	s13 =	sadd.s32 $0x100, s22;
	vm0 =	vge.s32 v4, v0;
	vm1 =	vlt.s32 v4, v1  }
0x1a5: {  	v5 =	vor.u32 s13, v3;
	vm0 =	vmand vm0, vm1  }
0x1a6: {  	v4 =	vsel vm0, v4, v5  }
0x1a7: {  	[tilespmem:s11+$0x8000] =	vst v4  }
0x1a8: {  	[hbm4b:s2+s9] =	stream.indirect.scatter [tilespmem:s8], [sflag:$0x2], $0x1, s6, s9, $0xb8;
	[tilespmem:$0xC000] =	vst v63  }
0x1a9: {  	_ =	swait.ge [sflag:s10], $0x2000  }
0x1aa: {  	[sflag:s10] =	ssyncset.done $0x0  }
0x1ab: {  	s11 =	simm.s32 $0x0;
	s22 =	rddreg [dreg:$0x6];
	[sflag:s10] =	ssyncadd.s32 $0xFFFFE000  }
0x1ac: {  	[tilespmem:s6], [sflag:$0x3] =	stream.linear.gather [hbm4b:s22+s11], $0x2000, $0x38;
	[tilespmem:$0xC000] =	vst v63  }
0x1ad: {  	_ =	swait.ge [sflag:s7], $0x2000  }
0x1ae: {  	[sflag:s7] =	ssyncset.done $0x0  }
0x1af: {  	s22 =	rddreg [dreg:$0x7];
	[sflag:s7] =	ssyncadd.s32 $0xFFFFE000  }
0x1b0: {  	[tilespmem:s8], [sflag:$0x3] =	stream.linear.gather [hbm4b:s22+s11], $0x2000, $0x38;
	[tilespmem:$0xC000] =	vst v63  }
0x1b1: {  	_ =	swait.ge [sflag:s7], $0x2000  }
0x1b2: {  	[sflag:s7] =	ssyncset.done $0x0  }
0x1b3: {  	s22 =	simm.s32 $0x0;
	[sflag:s7] =	ssyncadd.s32 $0xFFFFE000  }
0x1b4: {  	v4 =	vld [tilespmem:s22+$0x8000];
	_ =	sdelay $0x4  }
0x1b5: {  	vm14 =	vge.s32 v4, v0;
	vm15 =	vlt.s32 v4, v1  }
0x1b6: {  	v5 =	vor.u32 s23, v3;
	vm0 =	vmand vm14, vm15  }
0x1b7: {  	v4 =	vsel vm0, v4, v5  }
0x1b8: {  	s13 =	simm.s32 $0x80;
	s11 =	simm.s32 $0x10;
	[tilespmem:s22+$0x8000] =	vst v4;
	s22 =	smov.u32 s23  }
.LBB2_6:
0x1b9: {  	p0 =	sne.s32 s13, $0x7FC0;
	v4 =	vld [tilespmem:s11+$0x8000];
	_ =	sdelay $0x3  }
.Ltmp2:
0x1ba: {  	(pc) =	sbr.rel @p0 .LBB2_6-.Ltmp2, $4  }
0x1bb: {  	s22 =	sadd.s32 $0x100, s22;
	vm0 =	vge.s32 v4, v0;
	vm1 =	vlt.s32 v4, v1  }
0x1bc: {  	v5 =	vor.u32 s22, v3;
	vm0 =	vmand vm0, vm1  }
0x1bd: {  	v4 =	vsel vm0, v4, v5  }
0x1be: {  	[tilespmem:s11+$0x8000] =	vst v4;
	s11 =	sshra.s32 s13, $0x2;
	s13 =	sadd.s32 $0x40, s13  }
0x1bf: {  	v4 =	vld [tilespmem:s11+$0x8000];
	_ =	sdelay $0x4  }
0x1c0: {  	s13 =	sadd.s32 $0x100, s22;
	vm0 =	vge.s32 v4, v0;
	vm1 =	vlt.s32 v4, v1  }
0x1c1: {  	v5 =	vor.u32 s13, v3;
	vm0 =	vmand vm0, vm1  }
0x1c2: {  	v4 =	vsel vm0, v4, v5  }
0x1c3: {  	[tilespmem:s11+$0x8000] =	vst v4  }
0x1c4: {  	[hbm4b:s2+s9] =	stream.indirect.scatter [tilespmem:s8], [sflag:$0x2], $0x1, s6, s9, $0xb8;
	[tilespmem:$0xC000] =	vst v63  }
0x1c5: {  	_ =	swait.ge [sflag:s10], $0x2000  }
0x1c6: {  	[sflag:s10] =	ssyncset.done $0x0  }
0x1c7: {  	s11 =	simm.s32 $0x0;
	s22 =	rddreg [dreg:$0x8];
	[sflag:s10] =	ssyncadd.s32 $0xFFFFE000  }
0x1c8: {  	[tilespmem:s6], [sflag:$0x3] =	stream.linear.gather [hbm4b:s22+s11], $0x2000, $0x38;
	[tilespmem:$0xC000] =	vst v63  }
0x1c9: {  	_ =	swait.ge [sflag:s7], $0x2000  }
0x1ca: {  	[sflag:s7] =	ssyncset.done $0x0  }
0x1cb: {  	s22 =	rddreg [dreg:$0x9];
	[sflag:s7] =	ssyncadd.s32 $0xFFFFE000  }
0x1cc: {  	[tilespmem:s8], [sflag:$0x3] =	stream.linear.gather [hbm4b:s22+s11], $0x2000, $0x38;
	[tilespmem:$0xC000] =	vst v63  }
0x1cd: {  	_ =	swait.ge [sflag:s7], $0x2000  }
0x1ce: {  	[sflag:s7] =	ssyncset.done $0x0  }
0x1cf: {  	s22 =	simm.s32 $0x0;
	[sflag:s7] =	ssyncadd.s32 $0xFFFFE000  }
0x1d0: {  	v4 =	vld [tilespmem:s22+$0x8000];
	_ =	sdelay $0x4  }
0x1d1: {  	vm14 =	vge.s32 v4, v0;
	vm15 =	vlt.s32 v4, v1  }
0x1d2: {  	v5 =	vor.u32 s24, v3;
	vm0 =	vmand vm14, vm15  }
0x1d3: {  	v4 =	vsel vm0, v4, v5  }
0x1d4: {  	s13 =	simm.s32 $0x80;
	s11 =	simm.s32 $0x10;
	[tilespmem:s22+$0x8000] =	vst v4;
	s22 =	smov.u32 s24  }
.LBB2_8:
0x1d5: {  	p0 =	sne.s32 s13, $0x7FC0;
	v4 =	vld [tilespmem:s11+$0x8000];
	_ =	sdelay $0x3  }
.Ltmp3:
0x1d6: {  	(pc) =	sbr.rel @p0 .LBB2_8-.Ltmp3, $4  }
0x1d7: {  	s22 =	sadd.s32 $0x100, s22;
	vm0 =	vge.s32 v4, v0;
	vm1 =	vlt.s32 v4, v1  }
0x1d8: {  	v5 =	vor.u32 s22, v3;
	vm0 =	vmand vm0, vm1  }
0x1d9: {  	v4 =	vsel vm0, v4, v5  }
0x1da: {  	[tilespmem:s11+$0x8000] =	vst v4;
	s11 =	sshra.s32 s13, $0x2;
	s13 =	sadd.s32 $0x40, s13  }
0x1db: {  	v4 =	vld [tilespmem:s11+$0x8000];
	_ =	sdelay $0x4  }
0x1dc: {  	s13 =	sadd.s32 $0x100, s22;
	vm0 =	vge.s32 v4, v0;
	vm1 =	vlt.s32 v4, v1  }
0x1dd: {  	v5 =	vor.u32 s13, v3;
	vm0 =	vmand vm0, vm1  }
0x1de: {  	v4 =	vsel vm0, v4, v5  }
0x1df: {  	[tilespmem:s11+$0x8000] =	vst v4  }
0x1e0: {  	[hbm4b:s2+s9] =	stream.indirect.scatter [tilespmem:s8], [sflag:$0x2], $0x1, s6, s9, $0xb8;
	[tilespmem:$0xC000] =	vst v63  }
0x1e1: {  	_ =	swait.ge [sflag:s10], $0x2000  }
0x1e2: {  	[sflag:s10] =	ssyncset.done $0x0  }
0x1e3: {  	s11 =	simm.s32 $0x0;
	s22 =	rddreg [dreg:$0xa];
	[sflag:s10] =	ssyncadd.s32 $0xFFFFE000  }
0x1e4: {  	[tilespmem:s6], [sflag:$0x3] =	stream.linear.gather [hbm4b:s22+s11], $0x2000, $0x38;
	[tilespmem:$0xC000] =	vst v63  }
0x1e5: {  	_ =	swait.ge [sflag:s7], $0x2000  }
0x1e6: {  	[sflag:s7] =	ssyncset.done $0x0  }
0x1e7: {  	s22 =	rddreg [dreg:$0xb];
	[sflag:s7] =	ssyncadd.s32 $0xFFFFE000  }
0x1e8: {  	[tilespmem:s8], [sflag:$0x3] =	stream.linear.gather [hbm4b:s22+s11], $0x2000, $0x38;
	[tilespmem:$0xC000] =	vst v63  }
0x1e9: {  	_ =	swait.ge [sflag:s7], $0x2000  }
0x1ea: {  	[sflag:s7] =	ssyncset.done $0x0  }
0x1eb: {  	s22 =	simm.s32 $0x0;
	[sflag:s7] =	ssyncadd.s32 $0xFFFFE000  }
0x1ec: {  	v4 =	vld [tilespmem:s22+$0x8000];
	_ =	sdelay $0x4  }
0x1ed: {  	vm14 =	vge.s32 v4, v0;
	vm15 =	vlt.s32 v4, v1  }
0x1ee: {  	v5 =	vor.u32 s25, v3;
	vm0 =	vmand vm14, vm15  }
0x1ef: {  	v4 =	vsel vm0, v4, v5  }
0x1f0: {  	s13 =	simm.s32 $0x80;
	s11 =	simm.s32 $0x10;
	[tilespmem:s22+$0x8000] =	vst v4;
	s22 =	smov.u32 s25  }
.LBB2_10:
0x1f1: {  	p0 =	sne.s32 s13, $0x7FC0;
	v4 =	vld [tilespmem:s11+$0x8000];
	_ =	sdelay $0x3  }
.Ltmp4:
0x1f2: {  	(pc) =	sbr.rel @p0 .LBB2_10-.Ltmp4, $4  }
0x1f3: {  	s22 =	sadd.s32 $0x100, s22;
	vm0 =	vge.s32 v4, v0;
	vm1 =	vlt.s32 v4, v1  }
0x1f4: {  	v5 =	vor.u32 s22, v3;
	vm0 =	vmand vm0, vm1  }
0x1f5: {  	v4 =	vsel vm0, v4, v5  }
0x1f6: {  	[tilespmem:s11+$0x8000] =	vst v4;
	s11 =	sshra.s32 s13, $0x2;
	s13 =	sadd.s32 $0x40, s13  }
0x1f7: {  	v4 =	vld [tilespmem:s11+$0x8000];
	_ =	sdelay $0x4  }
0x1f8: {  	s13 =	sadd.s32 $0x100, s22;
	vm0 =	vge.s32 v4, v0;
	vm1 =	vlt.s32 v4, v1  }
0x1f9: {  	v5 =	vor.u32 s13, v3;
	vm0 =	vmand vm0, vm1  }
0x1fa: {  	v4 =	vsel vm0, v4, v5  }
0x1fb: {  	[tilespmem:s11+$0x8000] =	vst v4  }
0x1fc: {  	[hbm4b:s2+s9] =	stream.indirect.scatter [tilespmem:s8], [sflag:$0x2], $0x1, s6, s9, $0xb8;
	[tilespmem:$0xC000] =	vst v63  }
0x1fd: {  	_ =	swait.ge [sflag:s10], $0x2000  }
0x1fe: {  	[sflag:s10] =	ssyncset.done $0x0  }
0x1ff: {  	s11 =	simm.s32 $0x0;
	s22 =	rddreg [dreg:$0xc];
	[sflag:s10] =	ssyncadd.s32 $0xFFFFE000  }
0x200: {  	[tilespmem:s6], [sflag:$0x3] =	stream.linear.gather [hbm4b:s22+s11], $0x2000, $0x38;
	[tilespmem:$0xC000] =	vst v63  }
0x201: {  	_ =	swait.ge [sflag:s7], $0x2000  }
0x202: {  	[sflag:s7] =	ssyncset.done $0x0  }
0x203: {  	s22 =	rddreg [dreg:$0xd];
	[sflag:s7] =	ssyncadd.s32 $0xFFFFE000  }
0x204: {  	[tilespmem:s8], [sflag:$0x3] =	stream.linear.gather [hbm4b:s22+s11], $0x2000, $0x38;
	[tilespmem:$0xC000] =	vst v63  }
0x205: {  	_ =	swait.ge [sflag:s7], $0x2000  }
0x206: {  	[sflag:s7] =	ssyncset.done $0x0  }
0x207: {  	s22 =	simm.s32 $0x0;
	[sflag:s7] =	ssyncadd.s32 $0xFFFFE000  }
0x208: {  	v4 =	vld [tilespmem:s22+$0x8000];
	_ =	sdelay $0x4  }
0x209: {  	vm14 =	vge.s32 v4, v0;
	vm15 =	vlt.s32 v4, v1  }
0x20a: {  	v5 =	vor.u32 s26, v3;
	vm0 =	vmand vm14, vm15  }
0x20b: {  	v4 =	vsel vm0, v4, v5  }
0x20c: {  	s13 =	simm.s32 $0x80;
	s11 =	simm.s32 $0x10;
	[tilespmem:s22+$0x8000] =	vst v4;
	s22 =	smov.u32 s26  }
.LBB2_12:
0x20d: {  	p0 =	sne.s32 s13, $0x7FC0;
	v4 =	vld [tilespmem:s11+$0x8000];
	_ =	sdelay $0x3  }
.Ltmp5:
0x20e: {  	(pc) =	sbr.rel @p0 .LBB2_12-.Ltmp5, $4  }
0x20f: {  	s22 =	sadd.s32 $0x100, s22;
	vm0 =	vge.s32 v4, v0;
	vm1 =	vlt.s32 v4, v1  }
0x210: {  	v5 =	vor.u32 s22, v3;
	vm0 =	vmand vm0, vm1  }
0x211: {  	v4 =	vsel vm0, v4, v5  }
0x212: {  	[tilespmem:s11+$0x8000] =	vst v4;
	s11 =	sshra.s32 s13, $0x2;
	s13 =	sadd.s32 $0x40, s13  }
0x213: {  	v4 =	vld [tilespmem:s11+$0x8000];
	_ =	sdelay $0x4  }
0x214: {  	s13 =	sadd.s32 $0x100, s22;
	vm0 =	vge.s32 v4, v0;
	vm1 =	vlt.s32 v4, v1  }
0x215: {  	v5 =	vor.u32 s13, v3;
	vm0 =	vmand vm0, vm1  }
0x216: {  	v4 =	vsel vm0, v4, v5  }
0x217: {  	[tilespmem:s11+$0x8000] =	vst v4  }
0x218: {  	[hbm4b:s2+s9] =	stream.indirect.scatter [tilespmem:s8], [sflag:$0x2], $0x1, s6, s9, $0xb8;
	[tilespmem:$0xC000] =	vst v63  }
0x219: {  	_ =	swait.ge [sflag:s10], $0x2000  }
0x21a: {  	[sflag:s10] =	ssyncset.done $0x0  }
0x21b: {  	s11 =	simm.s32 $0x0;
	s22 =	rddreg [dreg:$0xe];
	[sflag:s10] =	ssyncadd.s32 $0xFFFFE000  }
0x21c: {  	[tilespmem:s6], [sflag:$0x3] =	stream.linear.gather [hbm4b:s22+s11], $0x2000, $0x38;
	[tilespmem:$0xC000] =	vst v63  }
0x21d: {  	_ =	swait.ge [sflag:s7], $0x2000  }
0x21e: {  	[sflag:s7] =	ssyncset.done $0x0  }
0x21f: {  	s22 =	rddreg [dreg:$0xf];
	[sflag:s7] =	ssyncadd.s32 $0xFFFFE000  }
0x220: {  	[tilespmem:s8], [sflag:$0x3] =	stream.linear.gather [hbm4b:s22+s11], $0x2000, $0x38;
	[tilespmem:$0xC000] =	vst v63  }
0x221: {  	_ =	swait.ge [sflag:s7], $0x2000  }
0x222: {  	[sflag:s7] =	ssyncset.done $0x0  }
0x223: {  	s22 =	simm.s32 $0x0;
	[sflag:s7] =	ssyncadd.s32 $0xFFFFE000  }
0x224: {  	v4 =	vld [tilespmem:s22+$0x8000];
	_ =	sdelay $0x4  }
0x225: {  	vm14 =	vge.s32 v4, v0;
	vm15 =	vlt.s32 v4, v1  }
0x226: {  	v5 =	vor.u32 s28, v3;
	vm0 =	vmand vm14, vm15  }
0x227: {  	v4 =	vsel vm0, v4, v5  }
0x228: {  	s13 =	simm.s32 $0x80;
	s11 =	simm.s32 $0x10;
	[tilespmem:s22+$0x8000] =	vst v4;
	s22 =	smov.u32 s28  }
.LBB2_14:
0x229: {  	p0 =	sne.s32 s13, $0x7FC0;
	v4 =	vld [tilespmem:s11+$0x8000];
	_ =	sdelay $0x3  }
.Ltmp6:
0x22a: {  	(pc) =	sbr.rel @p0 .LBB2_14-.Ltmp6, $4  }
0x22b: {  	s22 =	sadd.s32 $0x100, s22;
	vm0 =	vge.s32 v4, v0;
	vm1 =	vlt.s32 v4, v1  }
0x22c: {  	v5 =	vor.u32 s22, v3;
	vm0 =	vmand vm0, vm1  }
0x22d: {  	v4 =	vsel vm0, v4, v5  }
0x22e: {  	[tilespmem:s11+$0x8000] =	vst v4;
	s11 =	sshra.s32 s13, $0x2;
	s13 =	sadd.s32 $0x40, s13  }
0x22f: {  	v4 =	vld [tilespmem:s11+$0x8000];
	_ =	sdelay $0x4  }
0x230: {  	s13 =	sadd.s32 $0x100, s22;
	vm0 =	vge.s32 v4, v0;
	vm1 =	vlt.s32 v4, v1  }
0x231: {  	v5 =	vor.u32 s13, v3;
	vm0 =	vmand vm0, vm1  }
0x232: {  	v4 =	vsel vm0, v4, v5  }
0x233: {  	[tilespmem:s11+$0x8000] =	vst v4  }
0x234: {  	[hbm4b:s2+s9] =	stream.indirect.scatter [tilespmem:s8], [sflag:$0x2], $0x1, s6, s9, $0xb8;
	[tilespmem:$0xC000] =	vst v63  }
0x235: {  	_ =	swait.ge [sflag:s10], $0x2000  }
0x236: {  	[sflag:s10] =	ssyncset.done $0x0  }
0x237: {  	s11 =	simm.s32 $0x0;
	s22 =	rddreg [dreg:$0x10];
	[sflag:s10] =	ssyncadd.s32 $0xFFFFE000  }
0x238: {  	[tilespmem:s6], [sflag:$0x3] =	stream.linear.gather [hbm4b:s22+s11], $0x2000, $0x38;
	[tilespmem:$0xC000] =	vst v63  }
0x239: {  	_ =	swait.ge [sflag:s7], $0x2000  }
0x23a: {  	[sflag:s7] =	ssyncset.done $0x0  }
0x23b: {  	s22 =	rddreg [dreg:$0x11];
	[sflag:s7] =	ssyncadd.s32 $0xFFFFE000  }
0x23c: {  	[tilespmem:s8], [sflag:$0x3] =	stream.linear.gather [hbm4b:s22+s11], $0x2000, $0x38;
	[tilespmem:$0xC000] =	vst v63  }
0x23d: {  	_ =	swait.ge [sflag:s7], $0x2000  }
0x23e: {  	[sflag:s7] =	ssyncset.done $0x0  }
0x23f: {  	s22 =	simm.s32 $0x0;
	[sflag:s7] =	ssyncadd.s32 $0xFFFFE000  }
0x240: {  	v4 =	vld [tilespmem:s22+$0x8000];
	_ =	sdelay $0x4  }
0x241: {  	vm14 =	vge.s32 v4, v0;
	vm15 =	vlt.s32 v4, v1  }
0x242: {  	v5 =	vor.u32 s29, v3;
	vm0 =	vmand vm14, vm15  }
0x243: {  	v4 =	vsel vm0, v4, v5  }
0x244: {  	s13 =	simm.s32 $0x80;
	s11 =	simm.s32 $0x10;
	[tilespmem:s22+$0x8000] =	vst v4;
	s22 =	smov.u32 s29  }
.LBB2_16:
0x245: {  	p0 =	sne.s32 s13, $0x7FC0;
	v4 =	vld [tilespmem:s11+$0x8000];
	_ =	sdelay $0x3  }
.Ltmp7:
0x246: {  	(pc) =	sbr.rel @p0 .LBB2_16-.Ltmp7, $4  }
0x247: {  	s22 =	sadd.s32 $0x100, s22;
	vm0 =	vge.s32 v4, v0;
	vm1 =	vlt.s32 v4, v1  }
0x248: {  	v5 =	vor.u32 s22, v3;
	vm0 =	vmand vm0, vm1  }
0x249: {  	v4 =	vsel vm0, v4, v5  }
0x24a: {  	[tilespmem:s11+$0x8000] =	vst v4;
	s11 =	sshra.s32 s13, $0x2;
	s13 =	sadd.s32 $0x40, s13  }
0x24b: {  	v4 =	vld [tilespmem:s11+$0x8000];
	_ =	sdelay $0x4  }
0x24c: {  	s13 =	sadd.s32 $0x100, s22;
	vm0 =	vge.s32 v4, v0;
	vm1 =	vlt.s32 v4, v1  }
0x24d: {  	v5 =	vor.u32 s13, v3;
	vm0 =	vmand vm0, vm1  }
0x24e: {  	v4 =	vsel vm0, v4, v5  }
0x24f: {  	[tilespmem:s11+$0x8000] =	vst v4  }
0x250: {  	[hbm4b:s2+s9] =	stream.indirect.scatter [tilespmem:s8], [sflag:$0x2], $0x1, s6, s9, $0xb8;
	[tilespmem:$0xC000] =	vst v63  }
0x251: {  	_ =	swait.ge [sflag:s10], $0x2000  }
0x252: {  	[sflag:s10] =	ssyncset.done $0x0  }
0x253: {  	s11 =	simm.s32 $0x0;
	s22 =	rddreg [dreg:$0x12];
	[sflag:s10] =	ssyncadd.s32 $0xFFFFE000  }
0x254: {  	[tilespmem:s6], [sflag:$0x3] =	stream.linear.gather [hbm4b:s22+s11], $0x2000, $0x38;
	[tilespmem:$0xC000] =	vst v63  }
0x255: {  	_ =	swait.ge [sflag:s7], $0x2000  }
0x256: {  	[sflag:s7] =	ssyncset.done $0x0  }
0x257: {  	s22 =	rddreg [dreg:$0x13];
	[sflag:s7] =	ssyncadd.s32 $0xFFFFE000  }
0x258: {  	[tilespmem:s8], [sflag:$0x3] =	stream.linear.gather [hbm4b:s22+s11], $0x2000, $0x38;
	[tilespmem:$0xC000] =	vst v63  }
0x259: {  	_ =	swait.ge [sflag:s7], $0x2000  }
0x25a: {  	[sflag:s7] =	ssyncset.done $0x0  }
0x25b: {  	s22 =	simm.s32 $0x0;
	[sflag:s7] =	ssyncadd.s32 $0xFFFFE000  }
0x25c: {  	v4 =	vld [tilespmem:s22+$0x8000];
	_ =	sdelay $0x4  }
0x25d: {  	vm14 =	vge.s32 v4, v0;
	vm15 =	vlt.s32 v4, v1  }
0x25e: {  	v5 =	vor.u32 s30, v3;
	vm0 =	vmand vm14, vm15  }
0x25f: {  	v4 =	vsel vm0, v4, v5  }
0x260: {  	s13 =	simm.s32 $0x80;
	s11 =	simm.s32 $0x10;
	[tilespmem:s22+$0x8000] =	vst v4;
	s22 =	smov.u32 s30  }
.LBB2_18:
0x261: {  	p0 =	sne.s32 s13, $0x7FC0;
	v4 =	vld [tilespmem:s11+$0x8000];
	_ =	sdelay $0x3  }
.Ltmp8:
0x262: {  	(pc) =	sbr.rel @p0 .LBB2_18-.Ltmp8, $4  }
0x263: {  	s22 =	sadd.s32 $0x100, s22;
	vm0 =	vge.s32 v4, v0;
	vm1 =	vlt.s32 v4, v1  }
0x264: {  	v5 =	vor.u32 s22, v3;
	vm0 =	vmand vm0, vm1  }
0x265: {  	v4 =	vsel vm0, v4, v5  }
0x266: {  	[tilespmem:s11+$0x8000] =	vst v4;
	s11 =	sshra.s32 s13, $0x2;
	s13 =	sadd.s32 $0x40, s13  }
0x267: {  	v4 =	vld [tilespmem:s11+$0x8000];
	_ =	sdelay $0x4  }
0x268: {  	s13 =	sadd.s32 $0x100, s22;
	vm0 =	vge.s32 v4, v0;
	vm1 =	vlt.s32 v4, v1  }
0x269: {  	v5 =	vor.u32 s13, v3;
	vm0 =	vmand vm0, vm1  }
0x26a: {  	v4 =	vsel vm0, v4, v5  }
0x26b: {  	[tilespmem:s11+$0x8000] =	vst v4  }
0x26c: {  	[hbm4b:s2+s9] =	stream.indirect.scatter [tilespmem:s8], [sflag:$0x2], $0x1, s6, s9, $0xb8;
	[tilespmem:$0xC000] =	vst v63  }
0x26d: {  	_ =	swait.ge [sflag:s10], $0x2000  }
0x26e: {  	s3 =	sadd.s32 $0x1, s3;
	s22 =	rddreg [dreg:$0x14]  }
0x26f: {  	p0 =	sne.s32 s3, s22  }
.Ltmp9:
0x270: {  	_ = 	snop;
	(pc) =	sbr.rel @p0 .LBB2_1-.Ltmp9, $3  }
0x271: {  	_ =	sdelay $0x1  }
0x272: {  	[sflag:s10] =	ssyncset.done $0x0  }
0x273: {  	[sflag:s10] =	ssyncadd.s32 $0xFFFFE000  }
0x274: {  	_ =	sfence.sel $0x180000  }
0x275: {  	[bflag:$0x0] =	sbarrier.arrive $0xFFFF  }
0x276: {  	_ =	strace $0x90000047  }
0x277: {  	s0 =	stileid.u32;
	[bflag:$0x2] =	sbarrier.arrive $0xFFFF  }
0x278: {  	p0 =	sne.s32 s0, $0x0;
	s0 =	rddreg [dreg:$0x3]  }
0x279: {  	s0 =	sadd.s32 @!p0 $0x100000, s0  }
0x27a: {  	[sflag:s0] =	ssyncadd.tile.s32 @!p0 $0x1;
	_ =	shalt  }
.Lfunc_end2:
_tile_overlayer_lowered:
.L_overlay_start_2:
0x27b: {  	(tag) =	ssettag $0x2  }
0x27c: {  	s0 =	rddreg [dreg:$0x0];
	s2 =	stileid.u32  }
0x27d: {  	s1 =	rddreg [dreg:$0x1];
	p0 =	sne.s32 s2, $0x0  }
0x27e: {  	s3 =	rddreg [dreg:$0x2];
	[bflag:$0x3] =	sbarrier.arrive $0xFFFF;
	s2 =	simm.s32 @!p0 $0x1C03  }
0x27f: {  	[timem:s3], [sflag:s2] =	dma.local @!p0 [hbm:s0], s1  }
0x280: {  	s0 =	simm.s32 @!p0 $0x3  }
0x281: {  	_ =	swait.ge @!p0 [sflag:s0], s1  }
0x282: {  	s1 =	ssub.s32 @!p0 $0x0, s1;
	[sflag:s0] =	ssyncset.done @!p0 $0x0  }
0x283: {  	[sflag:s0] =	ssyncadd.s32 @!p0 s1  }
0x284: {  	[bflag:$0x3] =	sbarrier.arrive $0xFFFF  }
0x285: {  	_ =	shalt  }

</sc_bundles>
